<compile_context>
chip_gen: v7x
topology: tpu7x:2x2x1
jax: 0.10.2.dev20260603
libtpu: 0.0.44.dev20260713+nightly
codegen_flags: <defaults>
</compile_context>

<pallas_src>
import functools

import jax
import jax.numpy as jnp
from jax import lax
from jax.experimental import pallas as pl
from jax.experimental.pallas import tpu as pltpu
from jax.experimental.pallas import tpu_sc as plsc

_NC = 2
_NS = 16
_NW = _NC * _NS

_N = 10000
_E = 160000
_D = 128

_K = 125
_CHUNKS = 40
_EPT = _CHUNKS * _K
_ERPT = _E // _NW
_EPAD = _EPT - _ERPT
_EP = _NW * _EPT

_NP = 10240
_ROWS_PT = _NP // _NS
_RCHUNK = 128
_RSTEPS = _ROWS_PT // _RCHUNK

_SC_MESH = dict(core_axis_name="c", subcore_axis_name="s")
_SC_PARAMS = pltpu.CompilerParams(use_tc_tiling_on_sc=False)


_DUMP = _N
_G = 2
_NGRP = _CHUNKS // _G


def _segsum_sc(width, with_deg=False):
    mesh = plsc.VectorSubcoreMesh(**_SC_MESH)

    out_type = [jax.ShapeDtypeStruct((_NC, _NP, width), jnp.float32)]
    scratch = [
        pltpu.VMEM((_CHUNKS, _K), jnp.int32),
        pltpu.VMEM((_CHUNKS, _K), jnp.int32),
        pltpu.VMEM((_K, width), jnp.float32),
        pltpu.VMEM((_RCHUNK, width), jnp.float32),
        pltpu.VMEM_SHARED((_NP, width), jnp.float32),
        pltpu.SemaphoreType.DMA,
        pltpu.SemaphoreType.DMA,
    ]
    if with_deg:
        out_type.append(jax.ShapeDtypeStruct((_NC, _NP), jnp.float32))
        scratch += [
            pltpu.VMEM((_K,), jnp.float32),
            pltpu.VMEM((_ROWS_PT,), jnp.float32),
            pltpu.VMEM_SHARED((_NP,), jnp.float32),
        ]

    @functools.partial(
        pl.kernel,
        out_type=tuple(out_type),
        mesh=mesh,
        compiler_params=_SC_PARAMS,
        scratch_types=scratch,
    )
    def seg(table, src3, dst3, zeros, *rest):
        if with_deg:
            (zeros1, ones1, out, out2, srcv, dstv, buf, stage, acc,
             gsem, ssem, onesv, stage1, accdeg) = rest
        else:
            out, srcv, dstv, buf, stage, acc, gsem, ssem = rest
        cid = lax.axis_index("c")
        sid = lax.axis_index("s")
        wid = cid * _NS + sid
        pltpu.sync_copy(src3.at[wid], srcv)
        pltpu.sync_copy(dst3.at[wid], dstv)
        pltpu.sync_copy(zeros, stage)
        row0 = sid * _ROWS_PT
        for j in range(_RSTEPS):
            pltpu.sync_copy(stage, acc.at[pl.ds(row0 + j * _RCHUNK, _RCHUNK)])
        if with_deg:
            pltpu.sync_copy(ones1, onesv)
            pltpu.sync_copy(zeros1, stage1)
            pltpu.sync_copy(stage1, accdeg.at[pl.ds(row0, _ROWS_PT)])
        plsc.subcore_barrier()

        def chunk(i, carry):
            pltpu.sync_copy(table.at[srcv.at[i]], buf)
            pltpu.sync_copy(buf, acc.at[dstv.at[i]], add=True)
            if with_deg:
                pltpu.sync_copy(onesv, accdeg.at[dstv.at[i]], add=True)
            return carry

        lax.fori_loop(0, _CHUNKS, chunk, 0)
        plsc.subcore_barrier()
        for j in range(_RSTEPS):
            r = row0 + j * _RCHUNK
            pltpu.sync_copy(acc.at[pl.ds(r, _RCHUNK)], stage)
            pltpu.sync_copy(stage, out.at[cid, pl.ds(r, _RCHUNK)])
        if with_deg:
            pltpu.sync_copy(accdeg.at[pl.ds(row0, _ROWS_PT)], stage1)
            pltpu.sync_copy(stage1, out2.at[cid, pl.ds(row0, _ROWS_PT)])

    return seg


_K2 = 64
_C2 = _EPT // _K2


def _edge_gather_sc():
    mesh = plsc.VectorSubcoreMesh(**_SC_MESH)
    w = 2 * _D

    @functools.partial(
        pl.kernel,
        out_type=(
            jax.ShapeDtypeStruct((_EP, w), jnp.float32),
            jax.ShapeDtypeStruct((_EP, w), jnp.float32),
        ),
        mesh=mesh,
        compiler_params=_SC_PARAMS,
        scratch_types=[
            pltpu.VMEM((_CHUNKS, _K), jnp.int32),
            pltpu.VMEM((_CHUNKS, _K), jnp.int32),
            pltpu.VMEM((_K, w), jnp.float32),
            pltpu.VMEM((_K, w), jnp.float32),
            pltpu.SemaphoreType.DMA,
        ],
    )
    def gat(srctab, dsttab, src3, dst3, gs, gd, srcv, dstv, bufa, bufb,
            wsem):
        cid = lax.axis_index("c")
        sid = lax.axis_index("s")
        wid = cid * _NS + sid
        pltpu.sync_copy(src3.at[wid], srcv)
        pltpu.sync_copy(dst3.at[wid], dstv)
        base = wid * _EPT

        def chunk(i, carry):
            e0 = base + i * _K
            pltpu.sync_copy(srctab.at[srcv.at[i]], bufa)
            pltpu.sync_copy(bufa, gs.at[pl.ds(e0, _K)])
            pltpu.sync_copy(dsttab.at[dstv.at[i]], bufb)
            pltpu.sync_copy(bufb, gd.at[pl.ds(e0, _K)])
            return carry

        lax.fori_loop(0, _CHUNKS, chunk, 0)

    return gat


_BN = 1000


def _tc_layer1(P, degP, x, W1s, W1n, b1):
    def body(p_ref, deg_ref, x_ref, ws_ref, wn_ref, b_ref, h_ref, dinv_ref):
        p = p_ref[0] + p_ref[1]
        dinv = 1.0 / jnp.maximum(deg_ref[0] + deg_ref[1], 1.0)
        mean = p * dinv
        h = (jnp.dot(x_ref[...], ws_ref[...], preferred_element_type=jnp.float32)
             + jnp.dot(mean, wn_ref[...], preferred_element_type=jnp.float32)
             + b_ref[...])
        h_ref[...] = jnp.maximum(h, 0.0)
        dinv_ref[...] = dinv

    return pl.pallas_call(
        body,
        grid=(_N // _BN,),
        in_specs=[
            pl.BlockSpec((_NC, _BN, _D), lambda i: (0, i, 0)),
            pl.BlockSpec((_NC, _BN, 1), lambda i: (0, i, 0)),
            pl.BlockSpec((_BN, _D), lambda i: (i, 0)),
            pl.BlockSpec((_D, _D), lambda i: (0, 0)),
            pl.BlockSpec((_D, _D), lambda i: (0, 0)),
            pl.BlockSpec((_D,), lambda i: (0,)),
        ],
        out_specs=[
            pl.BlockSpec((_BN, _D), lambda i: (i, 0)),
            pl.BlockSpec((_BN, 1), lambda i: (i, 0)),
        ],
        out_shape=[
            jax.ShapeDtypeStruct((_N, _D), jnp.float32),
            jax.ShapeDtypeStruct((_N, 1), jnp.float32),
        ],
    )(P, degP, x, W1s, W1n, b1)


def _tc_layer2_tables(M, h1, dinv, W2s, W2n, b2, Wn, bn, We1, be1, Wl1):
    def body(m_ref, h1_ref, dinv_ref, w2s, w2n, b2r, wnr, bnr, we1, be1r, wl1,
             srct_ref, dstt_ref):
        m = m_ref[0] + m_ref[1]
        mean2 = m * dinv_ref[...]
        h1b = h1_ref[...]
        h2 = (jnp.dot(h1b, w2s[...], preferred_element_type=jnp.float32)
              + jnp.dot(mean2, w2n[...], preferred_element_type=jnp.float32)
              + b2r[...])
        h2 = jnp.maximum(h2, 0.0)
        hn = jnp.maximum(
            jnp.dot(h2, wnr[...], preferred_element_type=jnp.float32) + bnr[...],
            0.0)
        we1v = we1[...]
        wl1v = wl1[...]
        a = jnp.dot(hn, we1v[0:_D], preferred_element_type=jnp.float32) + be1r[...]
        c = jnp.dot(hn, wl1v[0:_D], preferred_element_type=jnp.float32)
        b = jnp.dot(hn, we1v[_D:2 * _D], preferred_element_type=jnp.float32)
        d = jnp.dot(hn, wl1v[_D:2 * _D], preferred_element_type=jnp.float32)
        srct_ref[...] = jnp.concatenate([a, c], axis=1)
        dstt_ref[...] = jnp.concatenate([b, d], axis=1)

    full = lambda shape: pl.BlockSpec(shape, lambda i: tuple(0 for _ in shape))
    return pl.pallas_call(
        body,
        grid=(_N // _BN,),
        in_specs=[
            pl.BlockSpec((_NC, _BN, _D), lambda i: (0, i, 0)),
            pl.BlockSpec((_BN, _D), lambda i: (i, 0)),
            pl.BlockSpec((_BN, 1), lambda i: (i, 0)),
            full((_D, _D)),
            full((_D, _D)),
            full((_D,)),
            full((_D, _D)),
            full((_D,)),
            full((2 * _D + 5, _D)),
            full((_D,)),
            full((2 * _D + 5, _D)),
        ],
        out_specs=[
            pl.BlockSpec((_BN, 2 * _D), lambda i: (i, 0)),
            pl.BlockSpec((_BN, 2 * _D), lambda i: (i, 0)),
        ],
        out_shape=[
            jax.ShapeDtypeStruct((_N, 2 * _D), jnp.float32),
            jax.ShapeDtypeStruct((_N, 2 * _D), jnp.float32),
        ],
    )(M, h1, dinv, W2s, W2n, b2, Wn, bn, We1, be1, Wl1)


_BE = 2000


def _tc_edge_mlp(Gs, Gd, ea, We1, We2, be2, Wl1, bl1, Wl2, bl2):
    def body(gs_ref, gd_ref, ea_ref, we1, we2, be2r, wl1, bl1r, wl2, bl2r,
             o_ref):
        gs = gs_ref[...]
        gd = gd_ref[...]
        eab = ea_ref[...]
        we1c = we1[...][2 * _D:]
        wl1c = wl1[...][2 * _D:]
        q = (gs[:, :_D] + gd[:, :_D]
             + jnp.dot(eab, we1c, preferred_element_type=jnp.float32))
        g = jnp.tanh(q)
        s = jnp.dot(g, we2[...], preferred_element_type=jnp.float32) + be2r[...]
        w = jax.nn.sigmoid(s)
        p = (gs[:, _D:] + gd[:, _D:]
             + jnp.dot(eab, wl1c, preferred_element_type=jnp.float32))
        t = jnp.maximum(p * w + bl1r[...], 0.0)
        o = jnp.dot(t, wl2[...], preferred_element_type=jnp.float32) + bl2r[...]
        o_ref[...] = o

    full = lambda shape: pl.BlockSpec(shape, lambda i: tuple(0 for _ in shape))
    return pl.pallas_call(
        body,
        grid=(_EP // _BE,),
        in_specs=[
            pl.BlockSpec((_BE, 2 * _D), lambda i: (i, 0)),
            pl.BlockSpec((_BE, 2 * _D), lambda i: (i, 0)),
            pl.BlockSpec((_BE, 5), lambda i: (i, 0)),
            full((2 * _D + 5, _D)),
            full((_D, 1)),
            full((1,)),
            full((2 * _D + 5, _D)),
            full((_D,)),
            full((_D, 1)),
            full((1,)),
        ],
        out_specs=pl.BlockSpec((_BE, 1), lambda i: (i, 0)),
        out_shape=jax.ShapeDtypeStruct((_EP, 1), jnp.float32),
    )(Gs, Gd, ea, We1, We2, be2, Wl1, bl1, Wl2, bl2)


def kernel(x, edge_index, edge_attr, W1_self, W1_neigh, b1, W2_self, W2_neigh,
           b2, Wn, bn, We1, be1, We2, be2, Wl1, bl1, Wl2, bl2):
    srcm = edge_index[0].reshape(_NW, _ERPT)
    dstm = edge_index[1].reshape(_NW, _ERPT)
    src3 = srcm.reshape(_NW, _CHUNKS, _K)
    dst3 = dstm.reshape(_NW, _CHUNKS, _K)
    ea_p = edge_attr
    zeros_d = jnp.zeros((_RCHUNK, _D), jnp.float32)
    zeros1 = jnp.zeros((_ROWS_PT,), jnp.float32)
    ones1 = jnp.ones((_K,), jnp.float32)

    P, degPf = _segsum_sc(_D, with_deg=True)(x, src3, dst3, zeros_d,
                                             zeros1, ones1)
    P = P[:, :_N]
    degP = degPf[:, :_N].reshape(_NC, _N, 1)
    h1, dinv = _tc_layer1(P, degP, x, W1_self, W1_neigh, b1)
    (M,) = _segsum_sc(_D)(h1, src3, dst3, zeros_d)
    M = M[:, :_N]
    srctab, dsttab = _tc_layer2_tables(M, h1, dinv, W2_self, W2_neigh, b2,
                                       Wn, bn, We1, be1, Wl1)
    gs, gd = _edge_gather_sc()(srctab, dsttab, src3, dst3)
    o = _tc_edge_mlp(gs, gd, ea_p, We1, We2, be2, Wl1, bl1, Wl2, bl2)
    return o.reshape(_NW, _EPT)[:, :_ERPT].reshape(_E, 1)

# --- scband reference (transcript-rebuilt; emitter-appended) ---
"""Pipeline reference for scband-edge-classifier-68066641707575 (READ-ONLY COPY).

The authoritative reference and input builder live on the scoring server;
editing this copy changes nothing except your own understanding.
"""

import jax, jax.numpy as jnp
import numpy as np

N = 10000
E = 160000
D = 128
H = 128
DE = 5
NC = 1

def setup_inputs(seed: int = 0) -> dict:
    key = jax.random.key(seed)
    ks = jax.random.split(key, 24)
    s = 0.05
    inp = {}
    inp['x'] = jax.random.normal(ks[0], (N, D), dtype=jnp.float32)
    inp['edge_index'] = jax.random.randint(ks[1], (2, E), 0, N, dtype=jnp.int32)
    inp['edge_attr'] = jax.random.normal(ks[2], (E, DE), dtype=jnp.float32)
    inp['W1_self'] = jax.random.normal(ks[3], (D, H), dtype=jnp.float32) * s
    inp['W1_neigh'] = jax.random.normal(ks[4], (D, H), dtype=jnp.float32) * s
    inp['b1'] = jnp.zeros((H,), dtype=jnp.float32)
    inp['W2_self'] = jax.random.normal(ks[5], (H, H), dtype=jnp.float32) * s
    inp['W2_neigh'] = jax.random.normal(ks[6], (H, H), dtype=jnp.float32) * s
    inp['b2'] = jnp.zeros((H,), dtype=jnp.float32)
    inp['Wn'] = jax.random.normal(ks[7], (H, H), dtype=jnp.float32) * s
    inp['bn'] = jnp.zeros((H,), dtype=jnp.float32)
    inp['We1'] = jax.random.normal(ks[8], (2 * H + DE, H), dtype=jnp.float32) * s
    inp['be1'] = jnp.zeros((H,), dtype=jnp.float32)
    inp['We2'] = jax.random.normal(ks[9], (H, 1), dtype=jnp.float32) * s
    inp['be2'] = jnp.zeros((1,), dtype=jnp.float32)
    inp['Wl1'] = jax.random.normal(ks[10], (2 * H + DE, H), dtype=jnp.float32) * s
    inp['bl1'] = jnp.zeros((H,), dtype=jnp.float32)
    inp['Wl2'] = jax.random.normal(ks[11], (H, NC), dtype=jnp.float32) * s
    inp['bl2'] = jnp.zeros((NC,), dtype=jnp.float32)
    return inp

def reference(x, edge_index, edge_attr, W1_self, W1_neigh, b1, W2_self, W2_neigh, b2, Wn, bn, We1, be1, We2, be2, Wl1, bl1, Wl2, bl2):
    src = edge_index[0]
    dst = edge_index[1]
    n = x.shape[0]
    ones_e = jnp.ones((src.shape[0],), dtype=x.dtype)
    deg = jax.ops.segment_sum(ones_e, dst, num_segments=n)
    deg = jnp.maximum(deg, 1.0)[:, None]

    def sage(h, Ws, Wng, b):
        msum = jax.ops.segment_sum(h[src], dst, num_segments=n)
        mean = msum / deg
        return h @ Ws + mean @ Wng + b

    h = jax.nn.relu(sage(x, W1_self, W1_neigh, b1))
    h = jax.nn.relu(sage(h, W2_self, W2_neigh, b2))
    h_src = jax.nn.relu(h[src] @ Wn + bn)
    h_dst = jax.nn.relu(h[dst] @ Wn + bn)
    ef = jnp.concatenate([h_src, h_dst, edge_attr], axis=1)
    w = jax.nn.sigmoid(jnp.tanh(ef @ We1 + be1) @ We2 + be2)
    efw = ef * w
    t = jax.nn.relu(efw @ Wl1 + bl1)
    # dropout p=0.5 is identity in eval mode
    return t @ Wl2 + bl2

if __name__ == "__main__":
    import jax
    _d = setup_inputs()
    print(jax.jit(kernel)(*tuple(_d.values())))

</pallas_src>

<mosaic_0001>
#map = affine_map<(d0, d1) -> (0, 0)>
#map1 = affine_map<(d0, d1) -> (0, 0, 0)>
#map2 = affine_map<(d0, d1) -> (0)>
module attributes {stable_mosaic.version = 14 : i64} {
  func.func @seg(%arg0: i32, %arg1: i32, %arg2: memref<10000x128xf32, #tpu.memory_space<hbm>>, %arg3: memref<32x40x125xi32, #tpu.memory_space<hbm>>, %arg4: memref<32x40x125xi32, #tpu.memory_space<hbm>>, %arg5: memref<128x128xf32, #tpu.memory_space<hbm>>, %arg6: memref<640xf32, #tpu.memory_space<hbm>>, %arg7: memref<125xf32, #tpu.memory_space<hbm>>, %arg8: memref<2x10240x128xf32, #tpu.memory_space<hbm>>, %arg9: memref<2x10240xf32, #tpu.memory_space<hbm>>, %arg10: memref<40x125xi32, #tpu.memory_space<vmem>>, %arg11: memref<40x125xi32, #tpu.memory_space<vmem>>, %arg12: memref<125x128xf32, #tpu.memory_space<vmem>>, %arg13: memref<128x128xf32, #tpu.memory_space<vmem>>, %arg14: memref<10240x128xf32, #tpu.memory_space<vmem_shared>>, %arg15: memref<!tpu.dma_semaphore, #tpu.memory_space<semaphore_mem>>, %arg16: memref<!tpu.dma_semaphore, #tpu.memory_space<semaphore_mem>>, %arg17: memref<125xf32, #tpu.memory_space<vmem>>, %arg18: memref<640xf32, #tpu.memory_space<vmem>>, %arg19: memref<10240xf32, #tpu.memory_space<vmem_shared>>) attributes {dimension_semantics = [#tpu.dimension_semantics<core_parallel>, #tpu.dimension_semantics<subcore_parallel>], iteration_bounds = array<i64: 2, 16>, scalar_prefetch = 0 : i64, scratch_operands = 10 : i64, tpu.core_type = #tpu.core_type<sc_vector_subcore>, window_params = [{transform_indices = #map}, {transform_indices = #map1}, {transform_indices = #map1}, {transform_indices = #map}, {transform_indices = #map2}, {transform_indices = #map2}, {transform_indices = #map1}, {transform_indices = #map}]} {
    %mul3A = arith.constant 16 : i32
    %mul3A_0 = arith.muli %arg0, %mul3A : i32
    %add3A = arith.addi %mul3A_0, %arg1 : i32
    "tpu.region"() ({
      %run_scoped3A = tpu.sem_alloc : memref<!tpu.dma_semaphore, #tpu.memory_space<semaphore_mem>>
      %dma_start3A = arith.constant 0 : i32
      %dma_start3A_29 = arith.constant 0 : i32
      %dma_start3A_30 = tpu.memref_slice %arg3[%add3A, %dma_start3A, %dma_start3A_29] : memref<32x40x125xi32, #tpu.memory_space<hbm>> -> memref<1x40x125xi32, #tpu.memory_space<hbm>>
      %dma_start3A_31 = tpu.memref_squeeze %dma_start3A_30 : memref<1x40x125xi32, #tpu.memory_space<hbm>> -> memref<40x125xi32, #tpu.memory_space<hbm>>
      %dma_start3A_32 = arith.constant 0 : i32
      %dma_start3A_33 = arith.constant 0 : i32
      %dma_start3A_34 = tpu.memref_slice %arg3[%add3A, %dma_start3A_32, %dma_start3A_33] : memref<32x40x125xi32, #tpu.memory_space<hbm>> -> memref<1x40x125xi32, #tpu.memory_space<hbm>>
      %dma_start3A_35 = tpu.memref_squeeze %dma_start3A_34 : memref<1x40x125xi32, #tpu.memory_space<hbm>> -> memref<40x125xi32, #tpu.memory_space<hbm>>
      tpu.enqueue_dma source(%dma_start3A_35 : memref<40x125xi32, #tpu.memory_space<hbm>>) target(%arg10 : memref<40x125xi32, #tpu.memory_space<vmem>>) target_semaphore(%run_scoped3A : memref<!tpu.dma_semaphore, #tpu.memory_space<semaphore_mem>>)
      %dma_wait3A = arith.constant 0 : i32
      %dma_wait3A_36 = arith.constant 0 : i32
      %dma_wait3A_37 = tpu.memref_slice %arg3[%add3A, %dma_wait3A, %dma_wait3A_36] : memref<32x40x125xi32, #tpu.memory_space<hbm>> -> memref<1x40x125xi32, #tpu.memory_space<hbm>>
      %dma_wait3A_38 = tpu.memref_squeeze %dma_wait3A_37 : memref<1x40x125xi32, #tpu.memory_space<hbm>> -> memref<40x125xi32, #tpu.memory_space<hbm>>
      %dma_wait3A_39 = arith.constant 0 : i32
      %dma_wait3A_40 = arith.constant 0 : i32
      %dma_wait3A_41 = tpu.memref_slice %arg3[%add3A, %dma_wait3A_39, %dma_wait3A_40] : memref<32x40x125xi32, #tpu.memory_space<hbm>> -> memref<1x40x125xi32, #tpu.memory_space<hbm>>
      %dma_wait3A_42 = tpu.memref_squeeze %dma_wait3A_41 : memref<1x40x125xi32, #tpu.memory_space<hbm>> -> memref<40x125xi32, #tpu.memory_space<hbm>>
      tpu.wait_dma2 semaphore(%run_scoped3A : memref<!tpu.dma_semaphore, #tpu.memory_space<semaphore_mem>>) src(%dma_wait3A_42 : memref<40x125xi32, #tpu.memory_space<hbm>>) dst(%arg10 : memref<40x125xi32, #tpu.memory_space<vmem>>)
      tpu.yield
    }) : () -> ()
    "tpu.region"() ({
      %run_scoped3A = tpu.sem_alloc : memref<!tpu.dma_semaphore, #tpu.memory_space<semaphore_mem>>
      %dma_start3A = arith.constant 0 : i32
      %dma_start3A_29 = arith.constant 0 : i32
      %dma_start3A_30 = tpu.memref_slice %arg4[%add3A, %dma_start3A, %dma_start3A_29] : memref<32x40x125xi32, #tpu.memory_space<hbm>> -> memref<1x40x125xi32, #tpu.memory_space<hbm>>
      %dma_start3A_31 = tpu.memref_squeeze %dma_start3A_30 : memref<1x40x125xi32, #tpu.memory_space<hbm>> -> memref<40x125xi32, #tpu.memory_space<hbm>>
      %dma_start3A_32 = arith.constant 0 : i32
      %dma_start3A_33 = arith.constant 0 : i32
      %dma_start3A_34 = tpu.memref_slice %arg4[%add3A, %dma_start3A_32, %dma_start3A_33] : memref<32x40x125xi32, #tpu.memory_space<hbm>> -> memref<1x40x125xi32, #tpu.memory_space<hbm>>
      %dma_start3A_35 = tpu.memref_squeeze %dma_start3A_34 : memref<1x40x125xi32, #tpu.memory_space<hbm>> -> memref<40x125xi32, #tpu.memory_space<hbm>>
      tpu.enqueue_dma source(%dma_start3A_35 : memref<40x125xi32, #tpu.memory_space<hbm>>) target(%arg11 : memref<40x125xi32, #tpu.memory_space<vmem>>) target_semaphore(%run_scoped3A : memref<!tpu.dma_semaphore, #tpu.memory_space<semaphore_mem>>)
      %dma_wait3A = arith.constant 0 : i32
      %dma_wait3A_36 = arith.constant 0 : i32
      %dma_wait3A_37 = tpu.memref_slice %arg4[%add3A, %dma_wait3A, %dma_wait3A_36] : memref<32x40x125xi32, #tpu.memory_space<hbm>> -> memref<1x40x125xi32, #tpu.memory_space<hbm>>
      %dma_wait3A_38 = tpu.memref_squeeze %dma_wait3A_37 : memref<1x40x125xi32, #tpu.memory_space<hbm>> -> memref<40x125xi32, #tpu.memory_space<hbm>>
      %dma_wait3A_39 = arith.constant 0 : i32
      %dma_wait3A_40 = arith.constant 0 : i32
      %dma_wait3A_41 = tpu.memref_slice %arg4[%add3A, %dma_wait3A_39, %dma_wait3A_40] : memref<32x40x125xi32, #tpu.memory_space<hbm>> -> memref<1x40x125xi32, #tpu.memory_space<hbm>>
      %dma_wait3A_42 = tpu.memref_squeeze %dma_wait3A_41 : memref<1x40x125xi32, #tpu.memory_space<hbm>> -> memref<40x125xi32, #tpu.memory_space<hbm>>
      tpu.wait_dma2 semaphore(%run_scoped3A : memref<!tpu.dma_semaphore, #tpu.memory_space<semaphore_mem>>) src(%dma_wait3A_42 : memref<40x125xi32, #tpu.memory_space<hbm>>) dst(%arg11 : memref<40x125xi32, #tpu.memory_space<vmem>>)
      tpu.yield
    }) : () -> ()
    "tpu.region"() ({
      %run_scoped3A = tpu.sem_alloc : memref<!tpu.dma_semaphore, #tpu.memory_space<semaphore_mem>>
      tpu.enqueue_dma source(%arg5 : memref<128x128xf32, #tpu.memory_space<hbm>>) target(%arg13 : memref<128x128xf32, #tpu.memory_space<vmem>>) target_semaphore(%run_scoped3A : memref<!tpu.dma_semaphore, #tpu.memory_space<semaphore_mem>>)
      tpu.wait_dma2 semaphore(%run_scoped3A : memref<!tpu.dma_semaphore, #tpu.memory_space<semaphore_mem>>) src(%arg5 : memref<128x128xf32, #tpu.memory_space<hbm>>) dst(%arg13 : memref<128x128xf32, #tpu.memory_space<vmem>>)
      tpu.yield
    }) : () -> ()
    %mul3A_1 = arith.constant 640 : i32
    %mul3A_2 = arith.muli %arg1, %mul3A_1 : i32
    %add3A_3 = arith.constant 0 : i32
    %add3A_4 = arith.addi %mul3A_2, %add3A_3 : i32
    "tpu.region"() ({
      %run_scoped3A = tpu.sem_alloc : memref<!tpu.dma_semaphore, #tpu.memory_space<semaphore_mem>>
      %dma_start3A = arith.constant 0 : i32
      %dma_start3A_29 = tpu.memref_slice %arg14[%add3A_4, %dma_start3A] : memref<10240x128xf32, #tpu.memory_space<vmem_shared>> -> memref<128x128xf32, #tpu.memory_space<vmem_shared>>
      %dma_start3A_30 = arith.constant 0 : i32
      %dma_start3A_31 = tpu.memref_slice %arg14[%add3A_4, %dma_start3A_30] : memref<10240x128xf32, #tpu.memory_space<vmem_shared>> -> memref<128x128xf32, #tpu.memory_space<vmem_shared>>
      tpu.enqueue_dma source(%arg13 : memref<128x128xf32, #tpu.memory_space<vmem>>) target(%dma_start3A_31 : memref<128x128xf32, #tpu.memory_space<vmem_shared>>) target_semaphore(%run_scoped3A : memref<!tpu.dma_semaphore, #tpu.memory_space<semaphore_mem>>)
      %dma_wait3A = arith.constant 0 : i32
      %dma_wait3A_32 = tpu.memref_slice %arg14[%add3A_4, %dma_wait3A] : memref<10240x128xf32, #tpu.memory_space<vmem_shared>> -> memref<128x128xf32, #tpu.memory_space<vmem_shared>>
      %dma_wait3A_33 = arith.constant 0 : i32
      %dma_wait3A_34 = tpu.memref_slice %arg14[%add3A_4, %dma_wait3A_33] : memref<10240x128xf32, #tpu.memory_space<vmem_shared>> -> memref<128x128xf32, #tpu.memory_space<vmem_shared>>
      tpu.wait_dma2 semaphore(%run_scoped3A : memref<!tpu.dma_semaphore, #tpu.memory_space<semaphore_mem>>) src(%arg13 : memref<128x128xf32, #tpu.memory_space<vmem>>) dst(%dma_wait3A_34 : memref<128x128xf32, #tpu.memory_space<vmem_shared>>)
      tpu.yield
    }) : () -> ()
    %add3A_5 = arith.constant 128 : i32
    %add3A_6 = arith.addi %mul3A_2, %add3A_5 : i32
    "tpu.region"() ({
      %run_scoped3A = tpu.sem_alloc : memref<!tpu.dma_semaphore, #tpu.memory_space<semaphore_mem>>
      %dma_start3A = arith.constant 0 : i32
      %dma_start3A_29 = tpu.memref_slice %arg14[%add3A_6, %dma_start3A] : memref<10240x128xf32, #tpu.memory_space<vmem_shared>> -> memref<128x128xf32, #tpu.memory_space<vmem_shared>>
      %dma_start3A_30 = arith.constant 0 : i32
      %dma_start3A_31 = tpu.memref_slice %arg14[%add3A_6, %dma_start3A_30] : memref<10240x128xf32, #tpu.memory_space<vmem_shared>> -> memref<128x128xf32, #tpu.memory_space<vmem_shared>>
      tpu.enqueue_dma source(%arg13 : memref<128x128xf32, #tpu.memory_space<vmem>>) target(%dma_start3A_31 : memref<128x128xf32, #tpu.memory_space<vmem_shared>>) target_semaphore(%run_scoped3A : memref<!tpu.dma_semaphore, #tpu.memory_space<semaphore_mem>>)
      %dma_wait3A = arith.constant 0 : i32
      %dma_wait3A_32 = tpu.memref_slice %arg14[%add3A_6, %dma_wait3A] : memref<10240x128xf32, #tpu.memory_space<vmem_shared>> -> memref<128x128xf32, #tpu.memory_space<vmem_shared>>
      %dma_wait3A_33 = arith.constant 0 : i32
      %dma_wait3A_34 = tpu.memref_slice %arg14[%add3A_6, %dma_wait3A_33] : memref<10240x128xf32, #tpu.memory_space<vmem_shared>> -> memref<128x128xf32, #tpu.memory_space<vmem_shared>>
      tpu.wait_dma2 semaphore(%run_scoped3A : memref<!tpu.dma_semaphore, #tpu.memory_space<semaphore_mem>>) src(%arg13 : memref<128x128xf32, #tpu.memory_space<vmem>>) dst(%dma_wait3A_34 : memref<128x128xf32, #tpu.memory_space<vmem_shared>>)
      tpu.yield
    }) : () -> ()
    %add3A_7 = arith.constant 256 : i32
    %add3A_8 = arith.addi %mul3A_2, %add3A_7 : i32
    "tpu.region"() ({
      %run_scoped3A = tpu.sem_alloc : memref<!tpu.dma_semaphore, #tpu.memory_space<semaphore_mem>>
      %dma_start3A = arith.constant 0 : i32
      %dma_start3A_29 = tpu.memref_slice %arg14[%add3A_8, %dma_start3A] : memref<10240x128xf32, #tpu.memory_space<vmem_shared>> -> memref<128x128xf32, #tpu.memory_space<vmem_shared>>
      %dma_start3A_30 = arith.constant 0 : i32
      %dma_start3A_31 = tpu.memref_slice %arg14[%add3A_8, %dma_start3A_30] : memref<10240x128xf32, #tpu.memory_space<vmem_shared>> -> memref<128x128xf32, #tpu.memory_space<vmem_shared>>
      tpu.enqueue_dma source(%arg13 : memref<128x128xf32, #tpu.memory_space<vmem>>) target(%dma_start3A_31 : memref<128x128xf32, #tpu.memory_space<vmem_shared>>) target_semaphore(%run_scoped3A : memref<!tpu.dma_semaphore, #tpu.memory_space<semaphore_mem>>)
      %dma_wait3A = arith.constant 0 : i32
      %dma_wait3A_32 = tpu.memref_slice %arg14[%add3A_8, %dma_wait3A] : memref<10240x128xf32, #tpu.memory_space<vmem_shared>> -> memref<128x128xf32, #tpu.memory_space<vmem_shared>>
      %dma_wait3A_33 = arith.constant 0 : i32
      %dma_wait3A_34 = tpu.memref_slice %arg14[%add3A_8, %dma_wait3A_33] : memref<10240x128xf32, #tpu.memory_space<vmem_shared>> -> memref<128x128xf32, #tpu.memory_space<vmem_shared>>
      tpu.wait_dma2 semaphore(%run_scoped3A : memref<!tpu.dma_semaphore, #tpu.memory_space<semaphore_mem>>) src(%arg13 : memref<128x128xf32, #tpu.memory_space<vmem>>) dst(%dma_wait3A_34 : memref<128x128xf32, #tpu.memory_space<vmem_shared>>)
      tpu.yield
    }) : () -> ()
    %add3A_9 = arith.constant 384 : i32
    %add3A_10 = arith.addi %mul3A_2, %add3A_9 : i32
    "tpu.region"() ({
      %run_scoped3A = tpu.sem_alloc : memref<!tpu.dma_semaphore, #tpu.memory_space<semaphore_mem>>
      %dma_start3A = arith.constant 0 : i32
      %dma_start3A_29 = tpu.memref_slice %arg14[%add3A_10, %dma_start3A] : memref<10240x128xf32, #tpu.memory_space<vmem_shared>> -> memref<128x128xf32, #tpu.memory_space<vmem_shared>>
      %dma_start3A_30 = arith.constant 0 : i32
      %dma_start3A_31 = tpu.memref_slice %arg14[%add3A_10, %dma_start3A_30] : memref<10240x128xf32, #tpu.memory_space<vmem_shared>> -> memref<128x128xf32, #tpu.memory_space<vmem_shared>>
      tpu.enqueue_dma source(%arg13 : memref<128x128xf32, #tpu.memory_space<vmem>>) target(%dma_start3A_31 : memref<128x128xf32, #tpu.memory_space<vmem_shared>>) target_semaphore(%run_scoped3A : memref<!tpu.dma_semaphore, #tpu.memory_space<semaphore_mem>>)
      %dma_wait3A = arith.constant 0 : i32
      %dma_wait3A_32 = tpu.memref_slice %arg14[%add3A_10, %dma_wait3A] : memref<10240x128xf32, #tpu.memory_space<vmem_shared>> -> memref<128x128xf32, #tpu.memory_space<vmem_shared>>
      %dma_wait3A_33 = arith.constant 0 : i32
      %dma_wait3A_34 = tpu.memref_slice %arg14[%add3A_10, %dma_wait3A_33] : memref<10240x128xf32, #tpu.memory_space<vmem_shared>> -> memref<128x128xf32, #tpu.memory_space<vmem_shared>>
      tpu.wait_dma2 semaphore(%run_scoped3A : memref<!tpu.dma_semaphore, #tpu.memory_space<semaphore_mem>>) src(%arg13 : memref<128x128xf32, #tpu.memory_space<vmem>>) dst(%dma_wait3A_34 : memref<128x128xf32, #tpu.memory_space<vmem_shared>>)
      tpu.yield
    }) : () -> ()
    %add3A_11 = arith.constant 512 : i32
    %add3A_12 = arith.addi %mul3A_2, %add3A_11 : i32
    "tpu.region"() ({
      %run_scoped3A = tpu.sem_alloc : memref<!tpu.dma_semaphore, #tpu.memory_space<semaphore_mem>>
      %dma_start3A = arith.constant 0 : i32
      %dma_start3A_29 = tpu.memref_slice %arg14[%add3A_12, %dma_start3A] : memref<10240x128xf32, #tpu.memory_space<vmem_shared>> -> memref<128x128xf32, #tpu.memory_space<vmem_shared>>
      %dma_start3A_30 = arith.constant 0 : i32
      %dma_start3A_31 = tpu.memref_slice %arg14[%add3A_12, %dma_start3A_30] : memref<10240x128xf32, #tpu.memory_space<vmem_shared>> -> memref<128x128xf32, #tpu.memory_space<vmem_shared>>
      tpu.enqueue_dma source(%arg13 : memref<128x128xf32, #tpu.memory_space<vmem>>) target(%dma_start3A_31 : memref<128x128xf32, #tpu.memory_space<vmem_shared>>) target_semaphore(%run_scoped3A : memref<!tpu.dma_semaphore, #tpu.memory_space<semaphore_mem>>)
      %dma_wait3A = arith.constant 0 : i32
      %dma_wait3A_32 = tpu.memref_slice %arg14[%add3A_12, %dma_wait3A] : memref<10240x128xf32, #tpu.memory_space<vmem_shared>> -> memref<128x128xf32, #tpu.memory_space<vmem_shared>>
      %dma_wait3A_33 = arith.constant 0 : i32
      %dma_wait3A_34 = tpu.memref_slice %arg14[%add3A_12, %dma_wait3A_33] : memref<10240x128xf32, #tpu.memory_space<vmem_shared>> -> memref<128x128xf32, #tpu.memory_space<vmem_shared>>
      tpu.wait_dma2 semaphore(%run_scoped3A : memref<!tpu.dma_semaphore, #tpu.memory_space<semaphore_mem>>) src(%arg13 : memref<128x128xf32, #tpu.memory_space<vmem>>) dst(%dma_wait3A_34 : memref<128x128xf32, #tpu.memory_space<vmem_shared>>)
      tpu.yield
    }) : () -> ()
    "tpu.region"() ({
      %run_scoped3A = tpu.sem_alloc : memref<!tpu.dma_semaphore, #tpu.memory_space<semaphore_mem>>
      tpu.enqueue_dma source(%arg7 : memref<125xf32, #tpu.memory_space<hbm>>) target(%arg17 : memref<125xf32, #tpu.memory_space<vmem>>) target_semaphore(%run_scoped3A : memref<!tpu.dma_semaphore, #tpu.memory_space<semaphore_mem>>)
      tpu.wait_dma2 semaphore(%run_scoped3A : memref<!tpu.dma_semaphore, #tpu.memory_space<semaphore_mem>>) src(%arg7 : memref<125xf32, #tpu.memory_space<hbm>>) dst(%arg17 : memref<125xf32, #tpu.memory_space<vmem>>)
      tpu.yield
    }) : () -> ()
    "tpu.region"() ({
      %run_scoped3A = tpu.sem_alloc : memref<!tpu.dma_semaphore, #tpu.memory_space<semaphore_mem>>
      tpu.enqueue_dma source(%arg6 : memref<640xf32, #tpu.memory_space<hbm>>) target(%arg18 : memref<640xf32, #tpu.memory_space<vmem>>) target_semaphore(%run_scoped3A : memref<!tpu.dma_semaphore, #tpu.memory_space<semaphore_mem>>)
      tpu.wait_dma2 semaphore(%run_scoped3A : memref<!tpu.dma_semaphore, #tpu.memory_space<semaphore_mem>>) src(%arg6 : memref<640xf32, #tpu.memory_space<hbm>>) dst(%arg18 : memref<640xf32, #tpu.memory_space<vmem>>)
      tpu.yield
    }) : () -> ()
    "tpu.region"() ({
      %run_scoped3A = tpu.sem_alloc : memref<!tpu.dma_semaphore, #tpu.memory_space<semaphore_mem>>
      %dma_start3A = tpu.memref_slice %arg19[%mul3A_2] : memref<10240xf32, #tpu.memory_space<vmem_shared>> -> memref<640xf32, #tpu.memory_space<vmem_shared>>
      %dma_start3A_29 = tpu.memref_slice %arg19[%mul3A_2] : memref<10240xf32, #tpu.memory_space<vmem_shared>> -> memref<640xf32, #tpu.memory_space<vmem_shared>>
      tpu.enqueue_dma source(%arg18 : memref<640xf32, #tpu.memory_space<vmem>>) target(%dma_start3A_29 : memref<640xf32, #tpu.memory_space<vmem_shared>>) target_semaphore(%run_scoped3A : memref<!tpu.dma_semaphore, #tpu.memory_space<semaphore_mem>>)
      %dma_wait3A = tpu.memref_slice %arg19[%mul3A_2] : memref<10240xf32, #tpu.memory_space<vmem_shared>> -> memref<640xf32, #tpu.memory_space<vmem_shared>>
      %dma_wait3A_30 = tpu.memref_slice %arg19[%mul3A_2] : memref<10240xf32, #tpu.memory_space<vmem_shared>> -> memref<640xf32, #tpu.memory_space<vmem_shared>>
      tpu.wait_dma2 semaphore(%run_scoped3A : memref<!tpu.dma_semaphore, #tpu.memory_space<semaphore_mem>>) src(%arg18 : memref<640xf32, #tpu.memory_space<vmem>>) dst(%dma_wait3A_30 : memref<640xf32, #tpu.memory_space<vmem_shared>>)
      tpu.yield
    }) : () -> ()
    %barrier3A = arith.constant 0 : index
    tpu.barrier barrier_id(%barrier3A)
    %scan3A = arith.constant 0 : i32
    %scan3A_13 = arith.constant 0 : i32
    %scan3A_14 = arith.constant 40 : i32
    %scan3A_15 = arith.addi %scan3A_13, %scan3A_14 : i32
    %scan3A_16 = arith.constant 1 : i32
    scf.for %scan3A_29 = %scan3A_13 to %scan3A_15 step %scan3A_16  : i32 {
      "tpu.region"() ({
        %run_scoped3A = tpu.sem_alloc : memref<!tpu.dma_semaphore, #tpu.memory_space<semaphore_mem>>
        %dma_start3A = arith.constant 0 : i32
        %dma_start3A_30 = tpu.memref_slice %arg10[%scan3A_29, %dma_start3A] : memref<40x125xi32, #tpu.memory_space<vmem>> -> memref<1x125xi32, #tpu.memory_space<vmem>>
        %dma_start3A_31 = tpu.memref_squeeze %dma_start3A_30 : memref<1x125xi32, #tpu.memory_space<vmem>> -> memref<125xi32, #tpu.memory_space<vmem>>
        %dma_start3A_32 = arith.constant 0 : i32
        %dma_start3A_33 = arith.constant 0 : i32
        %dma_start3A_34 = tpu.memref_slice %arg2[%dma_start3A_32, %dma_start3A_33] : memref<10000x128xf32, #tpu.memory_space<hbm>> -> memref<10000x128xf32, #tpu.memory_space<hbm>>
        tpu.enqueue_indirect_dma source(%dma_start3A_34 : memref<10000x128xf32, #tpu.memory_space<hbm>>) target(%arg12 : memref<125x128xf32, #tpu.memory_space<vmem>>) offsets(%dma_start3A_31 : memref<125xi32, #tpu.memory_space<vmem>>) semaphore(%run_scoped3A : memref<!tpu.dma_semaphore, #tpu.memory_space<semaphore_mem>>)
        %dma_wait3A = arith.constant 0 : i32
        %dma_wait3A_35 = tpu.memref_slice %arg10[%scan3A_29, %dma_wait3A] : memref<40x125xi32, #tpu.memory_space<vmem>> -> memref<1x125xi32, #tpu.memory_space<vmem>>
        %dma_wait3A_36 = tpu.memref_squeeze %dma_wait3A_35 : memref<1x125xi32, #tpu.memory_space<vmem>> -> memref<125xi32, #tpu.memory_space<vmem>>
        %dma_wait3A_37 = arith.constant 0 : i32
        %dma_wait3A_38 = arith.constant 0 : i32
        %dma_wait3A_39 = tpu.memref_slice %arg2[%dma_wait3A_37, %dma_wait3A_38] : memref<10000x128xf32, #tpu.memory_space<hbm>> -> memref<10000x128xf32, #tpu.memory_space<hbm>>
        tpu.wait_indirect_dma semaphore(%run_scoped3A : memref<!tpu.dma_semaphore, #tpu.memory_space<semaphore_mem>>) src(%dma_wait3A_39 : memref<10000x128xf32, #tpu.memory_space<hbm>>) dst(%arg12 : memref<125x128xf32, #tpu.memory_space<vmem>>)
        tpu.yield
      }) : () -> ()
      "tpu.region"() ({
        %run_scoped3A = tpu.sem_alloc : memref<!tpu.dma_semaphore, #tpu.memory_space<semaphore_mem>>
        %dma_start3A = arith.constant 0 : i32
        %dma_start3A_30 = tpu.memref_slice %arg11[%scan3A_29, %dma_start3A] : memref<40x125xi32, #tpu.memory_space<vmem>> -> memref<1x125xi32, #tpu.memory_space<vmem>>
        %dma_start3A_31 = tpu.memref_squeeze %dma_start3A_30 : memref<1x125xi32, #tpu.memory_space<vmem>> -> memref<125xi32, #tpu.memory_space<vmem>>
        %dma_start3A_32 = arith.constant 0 : i32
        %dma_start3A_33 = arith.constant 0 : i32
        %dma_start3A_34 = tpu.memref_slice %arg14[%dma_start3A_32, %dma_start3A_33] : memref<10240x128xf32, #tpu.memory_space<vmem_shared>> -> memref<10240x128xf32, #tpu.memory_space<vmem_shared>>
        tpu.enqueue_indirect_dma source(%arg12 : memref<125x128xf32, #tpu.memory_space<vmem>>) target(%dma_start3A_34 : memref<10240x128xf32, #tpu.memory_space<vmem_shared>>) offsets(%dma_start3A_31 : memref<125xi32, #tpu.memory_space<vmem>>) semaphore(%run_scoped3A : memref<!tpu.dma_semaphore, #tpu.memory_space<semaphore_mem>>) {add = true}
        %dma_wait3A = arith.constant 0 : i32
        %dma_wait3A_35 = tpu.memref_slice %arg11[%scan3A_29, %dma_wait3A] : memref<40x125xi32, #tpu.memory_space<vmem>> -> memref<1x125xi32, #tpu.memory_space<vmem>>
        %dma_wait3A_36 = tpu.memref_squeeze %dma_wait3A_35 : memref<1x125xi32, #tpu.memory_space<vmem>> -> memref<125xi32, #tpu.memory_space<vmem>>
        %dma_wait3A_37 = arith.constant 0 : i32
        %dma_wait3A_38 = arith.constant 0 : i32
        %dma_wait3A_39 = tpu.memref_slice %arg14[%dma_wait3A_37, %dma_wait3A_38] : memref<10240x128xf32, #tpu.memory_space<vmem_shared>> -> memref<10240x128xf32, #tpu.memory_space<vmem_shared>>
        tpu.wait_indirect_dma semaphore(%run_scoped3A : memref<!tpu.dma_semaphore, #tpu.memory_space<semaphore_mem>>) src(%arg12 : memref<125x128xf32, #tpu.memory_space<vmem>>) dst(%dma_wait3A_39 : memref<10240x128xf32, #tpu.memory_space<vmem_shared>>)
        tpu.yield
      }) : () -> ()
      "tpu.region"() ({
        %run_scoped3A = tpu.sem_alloc : memref<!tpu.dma_semaphore, #tpu.memory_space<semaphore_mem>>
        %dma_start3A = arith.constant 0 : i32
        %dma_start3A_30 = tpu.memref_slice %arg11[%scan3A_29, %dma_start3A] : memref<40x125xi32, #tpu.memory_space<vmem>> -> memref<1x125xi32, #tpu.memory_space<vmem>>
        %dma_start3A_31 = tpu.memref_squeeze %dma_start3A_30 : memref<1x125xi32, #tpu.memory_space<vmem>> -> memref<125xi32, #tpu.memory_space<vmem>>
        %dma_start3A_32 = arith.constant 0 : i32
        %dma_start3A_33 = tpu.memref_slice %arg19[%dma_start3A_32] : memref<10240xf32, #tpu.memory_space<vmem_shared>> -> memref<10240xf32, #tpu.memory_space<vmem_shared>>
        tpu.enqueue_indirect_dma source(%arg17 : memref<125xf32, #tpu.memory_space<vmem>>) target(%dma_start3A_33 : memref<10240xf32, #tpu.memory_space<vmem_shared>>) offsets(%dma_start3A_31 : memref<125xi32, #tpu.memory_space<vmem>>) semaphore(%run_scoped3A : memref<!tpu.dma_semaphore, #tpu.memory_space<semaphore_mem>>) {add = true}
        %dma_wait3A = arith.constant 0 : i32
        %dma_wait3A_34 = tpu.memref_slice %arg11[%scan3A_29, %dma_wait3A] : memref<40x125xi32, #tpu.memory_space<vmem>> -> memref<1x125xi32, #tpu.memory_space<vmem>>
        %dma_wait3A_35 = tpu.memref_squeeze %dma_wait3A_34 : memref<1x125xi32, #tpu.memory_space<vmem>> -> memref<125xi32, #tpu.memory_space<vmem>>
        %dma_wait3A_36 = arith.constant 0 : i32
        %dma_wait3A_37 = tpu.memref_slice %arg19[%dma_wait3A_36] : memref<10240xf32, #tpu.memory_space<vmem_shared>> -> memref<10240xf32, #tpu.memory_space<vmem_shared>>
        tpu.wait_indirect_dma semaphore(%run_scoped3A : memref<!tpu.dma_semaphore, #tpu.memory_space<semaphore_mem>>) src(%arg17 : memref<125xf32, #tpu.memory_space<vmem>>) dst(%dma_wait3A_37 : memref<10240xf32, #tpu.memory_space<vmem_shared>>)
        tpu.yield
      }) : () -> ()
    }
    %scan3A_17 = arith.constant 40 : i32
    %barrier3A_18 = arith.constant 0 : index
    tpu.barrier barrier_id(%barrier3A_18)
    %add3A_19 = arith.constant 0 : i32
    %add3A_20 = arith.addi %mul3A_2, %add3A_19 : i32
    "tpu.region"() ({
      %run_scoped3A = tpu.sem_alloc : memref<!tpu.dma_semaphore, #tpu.memory_space<semaphore_mem>>
      %dma_start3A = arith.constant 0 : i32
      %dma_start3A_29 = tpu.memref_slice %arg14[%add3A_20, %dma_start3A] : memref<10240x128xf32, #tpu.memory_space<vmem_shared>> -> memref<128x128xf32, #tpu.memory_space<vmem_shared>>
      %dma_start3A_30 = arith.constant 0 : i32
      %dma_start3A_31 = tpu.memref_slice %arg14[%add3A_20, %dma_start3A_30] : memref<10240x128xf32, #tpu.memory_space<vmem_shared>> -> memref<128x128xf32, #tpu.memory_space<vmem_shared>>
      tpu.enqueue_dma source(%dma_start3A_31 : memref<128x128xf32, #tpu.memory_space<vmem_shared>>) target(%arg13 : memref<128x128xf32, #tpu.memory_space<vmem>>) target_semaphore(%run_scoped3A : memref<!tpu.dma_semaphore, #tpu.memory_space<semaphore_mem>>)
      %dma_wait3A = arith.constant 0 : i32
      %dma_wait3A_32 = tpu.memref_slice %arg14[%add3A_20, %dma_wait3A] : memref<10240x128xf32, #tpu.memory_space<vmem_shared>> -> memref<128x128xf32, #tpu.memory_space<vmem_shared>>
      %dma_wait3A_33 = arith.constant 0 : i32
      %dma_wait3A_34 = tpu.memref_slice %arg14[%add3A_20, %dma_wait3A_33] : memref<10240x128xf32, #tpu.memory_space<vmem_shared>> -> memref<128x128xf32, #tpu.memory_space<vmem_shared>>
      tpu.wait_dma2 semaphore(%run_scoped3A : memref<!tpu.dma_semaphore, #tpu.memory_space<semaphore_mem>>) src(%dma_wait3A_34 : memref<128x128xf32, #tpu.memory_space<vmem_shared>>) dst(%arg13 : memref<128x128xf32, #tpu.memory_space<vmem>>)
      tpu.yield
    }) : () -> ()
    "tpu.region"() ({
      %run_scoped3A = tpu.sem_alloc : memref<!tpu.dma_semaphore, #tpu.memory_space<semaphore_mem>>
      %dma_start3A = arith.constant 0 : i32
      %dma_start3A_29 = tpu.memref_slice %arg8[%arg0, %add3A_20, %dma_start3A] : memref<2x10240x128xf32, #tpu.memory_space<hbm>> -> memref<1x128x128xf32, #tpu.memory_space<hbm>>
      %dma_start3A_30 = tpu.memref_squeeze %dma_start3A_29 : memref<1x128x128xf32, #tpu.memory_space<hbm>> -> memref<128x128xf32, #tpu.memory_space<hbm>>
      %dma_start3A_31 = arith.constant 0 : i32
      %dma_start3A_32 = tpu.memref_slice %arg8[%arg0, %add3A_20, %dma_start3A_31] : memref<2x10240x128xf32, #tpu.memory_space<hbm>> -> memref<1x128x128xf32, #tpu.memory_space<hbm>>
      %dma_start3A_33 = tpu.memref_squeeze %dma_start3A_32 : memref<1x128x128xf32, #tpu.memory_space<hbm>> -> memref<128x128xf32, #tpu.memory_space<hbm>>
      tpu.enqueue_dma source(%arg13 : memref<128x128xf32, #tpu.memory_space<vmem>>) target(%dma_start3A_33 : memref<128x128xf32, #tpu.memory_space<hbm>>) target_semaphore(%run_scoped3A : memref<!tpu.dma_semaphore, #tpu.memory_space<semaphore_mem>>)
      %dma_wait3A = arith.constant 0 : i32
      %dma_wait3A_34 = tpu.memref_slice %arg8[%arg0, %add3A_20, %dma_wait3A] : memref<2x10240x128xf32, #tpu.memory_space<hbm>> -> memref<1x128x128xf32, #tpu.memory_space<hbm>>
      %dma_wait3A_35 = tpu.memref_squeeze %dma_wait3A_34 : memref<1x128x128xf32, #tpu.memory_space<hbm>> -> memref<128x128xf32, #tpu.memory_space<hbm>>
      %dma_wait3A_36 = arith.constant 0 : i32
      %dma_wait3A_37 = tpu.memref_slice %arg8[%arg0, %add3A_20, %dma_wait3A_36] : memref<2x10240x128xf32, #tpu.memory_space<hbm>> -> memref<1x128x128xf32, #tpu.memory_space<hbm>>
      %dma_wait3A_38 = tpu.memref_squeeze %dma_wait3A_37 : memref<1x128x128xf32, #tpu.memory_space<hbm>> -> memref<128x128xf32, #tpu.memory_space<hbm>>
      tpu.wait_dma2 semaphore(%run_scoped3A : memref<!tpu.dma_semaphore, #tpu.memory_space<semaphore_mem>>) src(%arg13 : memref<128x128xf32, #tpu.memory_space<vmem>>) dst(%dma_wait3A_38 : memref<128x128xf32, #tpu.memory_space<hbm>>)
      tpu.yield
    }) : () -> ()
    %add3A_21 = arith.constant 128 : i32
    %add3A_22 = arith.addi %mul3A_2, %add3A_21 : i32
    "tpu.region"() ({
      %run_scoped3A = tpu.sem_alloc : memref<!tpu.dma_semaphore, #tpu.memory_space<semaphore_mem>>
      %dma_start3A = arith.constant 0 : i32
      %dma_start3A_29 = tpu.memref_slice %arg14[%add3A_22, %dma_start3A] : memref<10240x128xf32, #tpu.memory_space<vmem_shared>> -> memref<128x128xf32, #tpu.memory_space<vmem_shared>>
      %dma_start3A_30 = arith.constant 0 : i32
      %dma_start3A_31 = tpu.memref_slice %arg14[%add3A_22, %dma_start3A_30] : memref<10240x128xf32, #tpu.memory_space<vmem_shared>> -> memref<128x128xf32, #tpu.memory_space<vmem_shared>>
      tpu.enqueue_dma source(%dma_start3A_31 : memref<128x128xf32, #tpu.memory_space<vmem_shared>>) target(%arg13 : memref<128x128xf32, #tpu.memory_space<vmem>>) target_semaphore(%run_scoped3A : memref<!tpu.dma_semaphore, #tpu.memory_space<semaphore_mem>>)
      %dma_wait3A = arith.constant 0 : i32
      %dma_wait3A_32 = tpu.memref_slice %arg14[%add3A_22, %dma_wait3A] : memref<10240x128xf32, #tpu.memory_space<vmem_shared>> -> memref<128x128xf32, #tpu.memory_space<vmem_shared>>
      %dma_wait3A_33 = arith.constant 0 : i32
      %dma_wait3A_34 = tpu.memref_slice %arg14[%add3A_22, %dma_wait3A_33] : memref<10240x128xf32, #tpu.memory_space<vmem_shared>> -> memref<128x128xf32, #tpu.memory_space<vmem_shared>>
      tpu.wait_dma2 semaphore(%run_scoped3A : memref<!tpu.dma_semaphore, #tpu.memory_space<semaphore_mem>>) src(%dma_wait3A_34 : memref<128x128xf32, #tpu.memory_space<vmem_shared>>) dst(%arg13 : memref<128x128xf32, #tpu.memory_space<vmem>>)
      tpu.yield
    }) : () -> ()
    "tpu.region"() ({
      %run_scoped3A = tpu.sem_alloc : memref<!tpu.dma_semaphore, #tpu.memory_space<semaphore_mem>>
      %dma_start3A = arith.constant 0 : i32
      %dma_start3A_29 = tpu.memref_slice %arg8[%arg0, %add3A_22, %dma_start3A] : memref<2x10240x128xf32, #tpu.memory_space<hbm>> -> memref<1x128x128xf32, #tpu.memory_space<hbm>>
      %dma_start3A_30 = tpu.memref_squeeze %dma_start3A_29 : memref<1x128x128xf32, #tpu.memory_space<hbm>> -> memref<128x128xf32, #tpu.memory_space<hbm>>
      %dma_start3A_31 = arith.constant 0 : i32
      %dma_start3A_32 = tpu.memref_slice %arg8[%arg0, %add3A_22, %dma_start3A_31] : memref<2x10240x128xf32, #tpu.memory_space<hbm>> -> memref<1x128x128xf32, #tpu.memory_space<hbm>>
      %dma_start3A_33 = tpu.memref_squeeze %dma_start3A_32 : memref<1x128x128xf32, #tpu.memory_space<hbm>> -> memref<128x128xf32, #tpu.memory_space<hbm>>
      tpu.enqueue_dma source(%arg13 : memref<128x128xf32, #tpu.memory_space<vmem>>) target(%dma_start3A_33 : memref<128x128xf32, #tpu.memory_space<hbm>>) target_semaphore(%run_scoped3A : memref<!tpu.dma_semaphore, #tpu.memory_space<semaphore_mem>>)
      %dma_wait3A = arith.constant 0 : i32
      %dma_wait3A_34 = tpu.memref_slice %arg8[%arg0, %add3A_22, %dma_wait3A] : memref<2x10240x128xf32, #tpu.memory_space<hbm>> -> memref<1x128x128xf32, #tpu.memory_space<hbm>>
      %dma_wait3A_35 = tpu.memref_squeeze %dma_wait3A_34 : memref<1x128x128xf32, #tpu.memory_space<hbm>> -> memref<128x128xf32, #tpu.memory_space<hbm>>
      %dma_wait3A_36 = arith.constant 0 : i32
      %dma_wait3A_37 = tpu.memref_slice %arg8[%arg0, %add3A_22, %dma_wait3A_36] : memref<2x10240x128xf32, #tpu.memory_space<hbm>> -> memref<1x128x128xf32, #tpu.memory_space<hbm>>
      %dma_wait3A_38 = tpu.memref_squeeze %dma_wait3A_37 : memref<1x128x128xf32, #tpu.memory_space<hbm>> -> memref<128x128xf32, #tpu.memory_space<hbm>>
      tpu.wait_dma2 semaphore(%run_scoped3A : memref<!tpu.dma_semaphore, #tpu.memory_space<semaphore_mem>>) src(%arg13 : memref<128x128xf32, #tpu.memory_space<vmem>>) dst(%dma_wait3A_38 : memref<128x128xf32, #tpu.memory_space<hbm>>)
      tpu.yield
    }) : () -> ()
    %add3A_23 = arith.constant 256 : i32
    %add3A_24 = arith.addi %mul3A_2, %add3A_23 : i32
    "tpu.region"() ({
      %run_scoped3A = tpu.sem_alloc : memref<!tpu.dma_semaphore, #tpu.memory_space<semaphore_mem>>
      %dma_start3A = arith.constant 0 : i32
      %dma_start3A_29 = tpu.memref_slice %arg14[%add3A_24, %dma_start3A] : memref<10240x128xf32, #tpu.memory_space<vmem_shared>> -> memref<128x128xf32, #tpu.memory_space<vmem_shared>>
      %dma_start3A_30 = arith.constant 0 : i32
      %dma_start3A_31 = tpu.memref_slice %arg14[%add3A_24, %dma_start3A_30] : memref<10240x128xf32, #tpu.memory_space<vmem_shared>> -> memref<128x128xf32, #tpu.memory_space<vmem_shared>>
      tpu.enqueue_dma source(%dma_start3A_31 : memref<128x128xf32, #tpu.memory_space<vmem_shared>>) target(%arg13 : memref<128x128xf32, #tpu.memory_space<vmem>>) target_semaphore(%run_scoped3A : memref<!tpu.dma_semaphore, #tpu.memory_space<semaphore_mem>>)
      %dma_wait3A = arith.constant 0 : i32
      %dma_wait3A_32 = tpu.memref_slice %arg14[%add3A_24, %dma_wait3A] : memref<10240x128xf32, #tpu.memory_space<vmem_shared>> -> memref<128x128xf32, #tpu.memory_space<vmem_shared>>
      %dma_wait3A_33 = arith.constant 0 : i32
      %dma_wait3A_34 = tpu.memref_slice %arg14[%add3A_24, %dma_wait3A_33] : memref<10240x128xf32, #tpu.memory_space<vmem_shared>> -> memref<128x128xf32, #tpu.memory_space<vmem_shared>>
      tpu.wait_dma2 semaphore(%run_scoped3A : memref<!tpu.dma_semaphore, #tpu.memory_space<semaphore_mem>>) src(%dma_wait3A_34 : memref<128x128xf32, #tpu.memory_space<vmem_shared>>) dst(%arg13 : memref<128x128xf32, #tpu.memory_space<vmem>>)
      tpu.yield
    }) : () -> ()
    "tpu.region"() ({
      %run_scoped3A = tpu.sem_alloc : memref<!tpu.dma_semaphore, #tpu.memory_space<semaphore_mem>>
      %dma_start3A = arith.constant 0 : i32
      %dma_start3A_29 = tpu.memref_slice %arg8[%arg0, %add3A_24, %dma_start3A] : memref<2x10240x128xf32, #tpu.memory_space<hbm>> -> memref<1x128x128xf32, #tpu.memory_space<hbm>>
      %dma_start3A_30 = tpu.memref_squeeze %dma_start3A_29 : memref<1x128x128xf32, #tpu.memory_space<hbm>> -> memref<128x128xf32, #tpu.memory_space<hbm>>
      %dma_start3A_31 = arith.constant 0 : i32
      %dma_start3A_32 = tpu.memref_slice %arg8[%arg0, %add3A_24, %dma_start3A_31] : memref<2x10240x128xf32, #tpu.memory_space<hbm>> -> memref<1x128x128xf32, #tpu.memory_space<hbm>>
      %dma_start3A_33 = tpu.memref_squeeze %dma_start3A_32 : memref<1x128x128xf32, #tpu.memory_space<hbm>> -> memref<128x128xf32, #tpu.memory_space<hbm>>
      tpu.enqueue_dma source(%arg13 : memref<128x128xf32, #tpu.memory_space<vmem>>) target(%dma_start3A_33 : memref<128x128xf32, #tpu.memory_space<hbm>>) target_semaphore(%run_scoped3A : memref<!tpu.dma_semaphore, #tpu.memory_space<semaphore_mem>>)
      %dma_wait3A = arith.constant 0 : i32
      %dma_wait3A_34 = tpu.memref_slice %arg8[%arg0, %add3A_24, %dma_wait3A] : memref<2x10240x128xf32, #tpu.memory_space<hbm>> -> memref<1x128x128xf32, #tpu.memory_space<hbm>>
      %dma_wait3A_35 = tpu.memref_squeeze %dma_wait3A_34 : memref<1x128x128xf32, #tpu.memory_space<hbm>> -> memref<128x128xf32, #tpu.memory_space<hbm>>
      %dma_wait3A_36 = arith.constant 0 : i32
      %dma_wait3A_37 = tpu.memref_slice %arg8[%arg0, %add3A_24, %dma_wait3A_36] : memref<2x10240x128xf32, #tpu.memory_space<hbm>> -> memref<1x128x128xf32, #tpu.memory_space<hbm>>
      %dma_wait3A_38 = tpu.memref_squeeze %dma_wait3A_37 : memref<1x128x128xf32, #tpu.memory_space<hbm>> -> memref<128x128xf32, #tpu.memory_space<hbm>>
      tpu.wait_dma2 semaphore(%run_scoped3A : memref<!tpu.dma_semaphore, #tpu.memory_space<semaphore_mem>>) src(%arg13 : memref<128x128xf32, #tpu.memory_space<vmem>>) dst(%dma_wait3A_38 : memref<128x128xf32, #tpu.memory_space<hbm>>)
      tpu.yield
    }) : () -> ()
    %add3A_25 = arith.constant 384 : i32
    %add3A_26 = arith.addi %mul3A_2, %add3A_25 : i32
    "tpu.region"() ({
      %run_scoped3A = tpu.sem_alloc : memref<!tpu.dma_semaphore, #tpu.memory_space<semaphore_mem>>
      %dma_start3A = arith.constant 0 : i32
      %dma_start3A_29 = tpu.memref_slice %arg14[%add3A_26, %dma_start3A] : memref<10240x128xf32, #tpu.memory_space<vmem_shared>> -> memref<128x128xf32, #tpu.memory_space<vmem_shared>>
      %dma_start3A_30 = arith.constant 0 : i32
      %dma_start3A_31 = tpu.memref_slice %arg14[%add3A_26, %dma_start3A_30] : memref<10240x128xf32, #tpu.memory_space<vmem_shared>> -> memref<128x128xf32, #tpu.memory_space<vmem_shared>>
      tpu.enqueue_dma source(%dma_start3A_31 : memref<128x128xf32, #tpu.memory_space<vmem_shared>>) target(%arg13 : memref<128x128xf32, #tpu.memory_space<vmem>>) target_semaphore(%run_scoped3A : memref<!tpu.dma_semaphore, #tpu.memory_space<semaphore_mem>>)
      %dma_wait3A = arith.constant 0 : i32
      %dma_wait3A_32 = tpu.memref_slice %arg14[%add3A_26, %dma_wait3A] : memref<10240x128xf32, #tpu.memory_space<vmem_shared>> -> memref<128x128xf32, #tpu.memory_space<vmem_shared>>
      %dma_wait3A_33 = arith.constant 0 : i32
      %dma_wait3A_34 = tpu.memref_slice %arg14[%add3A_26, %dma_wait3A_33] : memref<10240x128xf32, #tpu.memory_space<vmem_shared>> -> memref<128x128xf32, #tpu.memory_space<vmem_shared>>
      tpu.wait_dma2 semaphore(%run_scoped3A : memref<!tpu.dma_semaphore, #tpu.memory_space<semaphore_mem>>) src(%dma_wait3A_34 : memref<128x128xf32, #tpu.memory_space<vmem_shared>>) dst(%arg13 : memref<128x128xf32, #tpu.memory_space<vmem>>)
      tpu.yield
    }) : () -> ()
    "tpu.region"() ({
      %run_scoped3A = tpu.sem_alloc : memref<!tpu.dma_semaphore, #tpu.memory_space<semaphore_mem>>
      %dma_start3A = arith.constant 0 : i32
      %dma_start3A_29 = tpu.memref_slice %arg8[%arg0, %add3A_26, %dma_start3A] : memref<2x10240x128xf32, #tpu.memory_space<hbm>> -> memref<1x128x128xf32, #tpu.memory_space<hbm>>
      %dma_start3A_30 = tpu.memref_squeeze %dma_start3A_29 : memref<1x128x128xf32, #tpu.memory_space<hbm>> -> memref<128x128xf32, #tpu.memory_space<hbm>>
      %dma_start3A_31 = arith.constant 0 : i32
      %dma_start3A_32 = tpu.memref_slice %arg8[%arg0, %add3A_26, %dma_start3A_31] : memref<2x10240x128xf32, #tpu.memory_space<hbm>> -> memref<1x128x128xf32, #tpu.memory_space<hbm>>
      %dma_start3A_33 = tpu.memref_squeeze %dma_start3A_32 : memref<1x128x128xf32, #tpu.memory_space<hbm>> -> memref<128x128xf32, #tpu.memory_space<hbm>>
      tpu.enqueue_dma source(%arg13 : memref<128x128xf32, #tpu.memory_space<vmem>>) target(%dma_start3A_33 : memref<128x128xf32, #tpu.memory_space<hbm>>) target_semaphore(%run_scoped3A : memref<!tpu.dma_semaphore, #tpu.memory_space<semaphore_mem>>)
      %dma_wait3A = arith.constant 0 : i32
      %dma_wait3A_34 = tpu.memref_slice %arg8[%arg0, %add3A_26, %dma_wait3A] : memref<2x10240x128xf32, #tpu.memory_space<hbm>> -> memref<1x128x128xf32, #tpu.memory_space<hbm>>
      %dma_wait3A_35 = tpu.memref_squeeze %dma_wait3A_34 : memref<1x128x128xf32, #tpu.memory_space<hbm>> -> memref<128x128xf32, #tpu.memory_space<hbm>>
      %dma_wait3A_36 = arith.constant 0 : i32
      %dma_wait3A_37 = tpu.memref_slice %arg8[%arg0, %add3A_26, %dma_wait3A_36] : memref<2x10240x128xf32, #tpu.memory_space<hbm>> -> memref<1x128x128xf32, #tpu.memory_space<hbm>>
      %dma_wait3A_38 = tpu.memref_squeeze %dma_wait3A_37 : memref<1x128x128xf32, #tpu.memory_space<hbm>> -> memref<128x128xf32, #tpu.memory_space<hbm>>
      tpu.wait_dma2 semaphore(%run_scoped3A : memref<!tpu.dma_semaphore, #tpu.memory_space<semaphore_mem>>) src(%arg13 : memref<128x128xf32, #tpu.memory_space<vmem>>) dst(%dma_wait3A_38 : memref<128x128xf32, #tpu.memory_space<hbm>>)
      tpu.yield
    }) : () -> ()
    %add3A_27 = arith.constant 512 : i32
    %add3A_28 = arith.addi %mul3A_2, %add3A_27 : i32
    "tpu.region"() ({
      %run_scoped3A = tpu.sem_alloc : memref<!tpu.dma_semaphore, #tpu.memory_space<semaphore_mem>>
      %dma_start3A = arith.constant 0 : i32
      %dma_start3A_29 = tpu.memref_slice %arg14[%add3A_28, %dma_start3A] : memref<10240x128xf32, #tpu.memory_space<vmem_shared>> -> memref<128x128xf32, #tpu.memory_space<vmem_shared>>
      %dma_start3A_30 = arith.constant 0 : i32
      %dma_start3A_31 = tpu.memref_slice %arg14[%add3A_28, %dma_start3A_30] : memref<10240x128xf32, #tpu.memory_space<vmem_shared>> -> memref<128x128xf32, #tpu.memory_space<vmem_shared>>
      tpu.enqueue_dma source(%dma_start3A_31 : memref<128x128xf32, #tpu.memory_space<vmem_shared>>) target(%arg13 : memref<128x128xf32, #tpu.memory_space<vmem>>) target_semaphore(%run_scoped3A : memref<!tpu.dma_semaphore, #tpu.memory_space<semaphore_mem>>)
      %dma_wait3A = arith.constant 0 : i32
      %dma_wait3A_32 = tpu.memref_slice %arg14[%add3A_28, %dma_wait3A] : memref<10240x128xf32, #tpu.memory_space<vmem_shared>> -> memref<128x128xf32, #tpu.memory_space<vmem_shared>>
      %dma_wait3A_33 = arith.constant 0 : i32
      %dma_wait3A_34 = tpu.memref_slice %arg14[%add3A_28, %dma_wait3A_33] : memref<10240x128xf32, #tpu.memory_space<vmem_shared>> -> memref<128x128xf32, #tpu.memory_space<vmem_shared>>
      tpu.wait_dma2 semaphore(%run_scoped3A : memref<!tpu.dma_semaphore, #tpu.memory_space<semaphore_mem>>) src(%dma_wait3A_34 : memref<128x128xf32, #tpu.memory_space<vmem_shared>>) dst(%arg13 : memref<128x128xf32, #tpu.memory_space<vmem>>)
      tpu.yield
    }) : () -> ()
    "tpu.region"() ({
      %run_scoped3A = tpu.sem_alloc : memref<!tpu.dma_semaphore, #tpu.memory_space<semaphore_mem>>
      %dma_start3A = arith.constant 0 : i32
      %dma_start3A_29 = tpu.memref_slice %arg8[%arg0, %add3A_28, %dma_start3A] : memref<2x10240x128xf32, #tpu.memory_space<hbm>> -> memref<1x128x128xf32, #tpu.memory_space<hbm>>
      %dma_start3A_30 = tpu.memref_squeeze %dma_start3A_29 : memref<1x128x128xf32, #tpu.memory_space<hbm>> -> memref<128x128xf32, #tpu.memory_space<hbm>>
      %dma_start3A_31 = arith.constant 0 : i32
      %dma_start3A_32 = tpu.memref_slice %arg8[%arg0, %add3A_28, %dma_start3A_31] : memref<2x10240x128xf32, #tpu.memory_space<hbm>> -> memref<1x128x128xf32, #tpu.memory_space<hbm>>
      %dma_start3A_33 = tpu.memref_squeeze %dma_start3A_32 : memref<1x128x128xf32, #tpu.memory_space<hbm>> -> memref<128x128xf32, #tpu.memory_space<hbm>>
      tpu.enqueue_dma source(%arg13 : memref<128x128xf32, #tpu.memory_space<vmem>>) target(%dma_start3A_33 : memref<128x128xf32, #tpu.memory_space<hbm>>) target_semaphore(%run_scoped3A : memref<!tpu.dma_semaphore, #tpu.memory_space<semaphore_mem>>)
      %dma_wait3A = arith.constant 0 : i32
      %dma_wait3A_34 = tpu.memref_slice %arg8[%arg0, %add3A_28, %dma_wait3A] : memref<2x10240x128xf32, #tpu.memory_space<hbm>> -> memref<1x128x128xf32, #tpu.memory_space<hbm>>
      %dma_wait3A_35 = tpu.memref_squeeze %dma_wait3A_34 : memref<1x128x128xf32, #tpu.memory_space<hbm>> -> memref<128x128xf32, #tpu.memory_space<hbm>>
      %dma_wait3A_36 = arith.constant 0 : i32
      %dma_wait3A_37 = tpu.memref_slice %arg8[%arg0, %add3A_28, %dma_wait3A_36] : memref<2x10240x128xf32, #tpu.memory_space<hbm>> -> memref<1x128x128xf32, #tpu.memory_space<hbm>>
      %dma_wait3A_38 = tpu.memref_squeeze %dma_wait3A_37 : memref<1x128x128xf32, #tpu.memory_space<hbm>> -> memref<128x128xf32, #tpu.memory_space<hbm>>
      tpu.wait_dma2 semaphore(%run_scoped3A : memref<!tpu.dma_semaphore, #tpu.memory_space<semaphore_mem>>) src(%arg13 : memref<128x128xf32, #tpu.memory_space<vmem>>) dst(%dma_wait3A_38 : memref<128x128xf32, #tpu.memory_space<hbm>>)
      tpu.yield
    }) : () -> ()
    "tpu.region"() ({
      %run_scoped3A = tpu.sem_alloc : memref<!tpu.dma_semaphore, #tpu.memory_space<semaphore_mem>>
      %dma_start3A = tpu.memref_slice %arg19[%mul3A_2] : memref<10240xf32, #tpu.memory_space<vmem_shared>> -> memref<640xf32, #tpu.memory_space<vmem_shared>>
      %dma_start3A_29 = tpu.memref_slice %arg19[%mul3A_2] : memref<10240xf32, #tpu.memory_space<vmem_shared>> -> memref<640xf32, #tpu.memory_space<vmem_shared>>
      tpu.enqueue_dma source(%dma_start3A_29 : memref<640xf32, #tpu.memory_space<vmem_shared>>) target(%arg18 : memref<640xf32, #tpu.memory_space<vmem>>) target_semaphore(%run_scoped3A : memref<!tpu.dma_semaphore, #tpu.memory_space<semaphore_mem>>)
      %dma_wait3A = tpu.memref_slice %arg19[%mul3A_2] : memref<10240xf32, #tpu.memory_space<vmem_shared>> -> memref<640xf32, #tpu.memory_space<vmem_shared>>
      %dma_wait3A_30 = tpu.memref_slice %arg19[%mul3A_2] : memref<10240xf32, #tpu.memory_space<vmem_shared>> -> memref<640xf32, #tpu.memory_space<vmem_shared>>
      tpu.wait_dma2 semaphore(%run_scoped3A : memref<!tpu.dma_semaphore, #tpu.memory_space<semaphore_mem>>) src(%dma_wait3A_30 : memref<640xf32, #tpu.memory_space<vmem_shared>>) dst(%arg18 : memref<640xf32, #tpu.memory_space<vmem>>)
      tpu.yield
    }) : () -> ()
    "tpu.region"() ({
      %run_scoped3A = tpu.sem_alloc : memref<!tpu.dma_semaphore, #tpu.memory_space<semaphore_mem>>
      %dma_start3A = tpu.memref_slice %arg9[%arg0, %mul3A_2] : memref<2x10240xf32, #tpu.memory_space<hbm>> -> memref<1x640xf32, #tpu.memory_space<hbm>>
      %dma_start3A_29 = tpu.memref_squeeze %dma_start3A : memref<1x640xf32, #tpu.memory_space<hbm>> -> memref<640xf32, #tpu.memory_space<hbm>>
      %dma_start3A_30 = tpu.memref_slice %arg9[%arg0, %mul3A_2] : memref<2x10240xf32, #tpu.memory_space<hbm>> -> memref<1x640xf32, #tpu.memory_space<hbm>>
      %dma_start3A_31 = tpu.memref_squeeze %dma_start3A_30 : memref<1x640xf32, #tpu.memory_space<hbm>> -> memref<640xf32, #tpu.memory_space<hbm>>
      tpu.enqueue_dma source(%arg18 : memref<640xf32, #tpu.memory_space<vmem>>) target(%dma_start3A_31 : memref<640xf32, #tpu.memory_space<hbm>>) target_semaphore(%run_scoped3A : memref<!tpu.dma_semaphore, #tpu.memory_space<semaphore_mem>>)
      %dma_wait3A = tpu.memref_slice %arg9[%arg0, %mul3A_2] : memref<2x10240xf32, #tpu.memory_space<hbm>> -> memref<1x640xf32, #tpu.memory_space<hbm>>
      %dma_wait3A_32 = tpu.memref_squeeze %dma_wait3A : memref<1x640xf32, #tpu.memory_space<hbm>> -> memref<640xf32, #tpu.memory_space<hbm>>
      %dma_wait3A_33 = tpu.memref_slice %arg9[%arg0, %mul3A_2] : memref<2x10240xf32, #tpu.memory_space<hbm>> -> memref<1x640xf32, #tpu.memory_space<hbm>>
      %dma_wait3A_34 = tpu.memref_squeeze %dma_wait3A_33 : memref<1x640xf32, #tpu.memory_space<hbm>> -> memref<640xf32, #tpu.memory_space<hbm>>
      tpu.wait_dma2 semaphore(%run_scoped3A : memref<!tpu.dma_semaphore, #tpu.memory_space<semaphore_mem>>) src(%arg18 : memref<640xf32, #tpu.memory_space<vmem>>) dst(%dma_wait3A_34 : memref<640xf32, #tpu.memory_space<hbm>>)
      tpu.yield
    }) : () -> ()
    return
  }
}

#map = affine_map<(d0, d1) -> (0, 0)>
#map1 = affine_map<(d0, d1) -> (0, 0, 0)>
module attributes {stable_mosaic.version = 14 : i64} {
  func.func @gat(%arg0: i32, %arg1: i32, %arg2: memref<10000x256xf32, #tpu.memory_space<hbm>>, %arg3: memref<10000x256xf32, #tpu.memory_space<hbm>>, %arg4: memref<32x40x125xi32, #tpu.memory_space<hbm>>, %arg5: memref<32x40x125xi32, #tpu.memory_space<hbm>>, %arg6: memref<160000x256xf32, #tpu.memory_space<hbm>>, %arg7: memref<160000x256xf32, #tpu.memory_space<hbm>>, %arg8: memref<40x125xi32, #tpu.memory_space<vmem>>, %arg9: memref<40x125xi32, #tpu.memory_space<vmem>>, %arg10: memref<125x256xf32, #tpu.memory_space<vmem>>, %arg11: memref<125x256xf32, #tpu.memory_space<vmem>>, %arg12: memref<!tpu.dma_semaphore, #tpu.memory_space<semaphore_mem>>) attributes {dimension_semantics = [#tpu.dimension_semantics<core_parallel>, #tpu.dimension_semantics<subcore_parallel>], iteration_bounds = array<i64: 2, 16>, scalar_prefetch = 0 : i64, scratch_operands = 5 : i64, tpu.core_type = #tpu.core_type<sc_vector_subcore>, window_params = [{transform_indices = #map}, {transform_indices = #map}, {transform_indices = #map1}, {transform_indices = #map1}, {transform_indices = #map}, {transform_indices = #map}]} {
    %mul3A = arith.constant 16 : i32
    %mul3A_0 = arith.muli %arg0, %mul3A : i32
    %add3A = arith.addi %mul3A_0, %arg1 : i32
    "tpu.region"() ({
      %run_scoped3A = tpu.sem_alloc : memref<!tpu.dma_semaphore, #tpu.memory_space<semaphore_mem>>
      %dma_start3A = arith.constant 0 : i32
      %dma_start3A_8 = arith.constant 0 : i32
      %dma_start3A_9 = tpu.memref_slice %arg4[%add3A, %dma_start3A, %dma_start3A_8] : memref<32x40x125xi32, #tpu.memory_space<hbm>> -> memref<1x40x125xi32, #tpu.memory_space<hbm>>
      %dma_start3A_10 = tpu.memref_squeeze %dma_start3A_9 : memref<1x40x125xi32, #tpu.memory_space<hbm>> -> memref<40x125xi32, #tpu.memory_space<hbm>>
      %dma_start3A_11 = arith.constant 0 : i32
      %dma_start3A_12 = arith.constant 0 : i32
      %dma_start3A_13 = tpu.memref_slice %arg4[%add3A, %dma_start3A_11, %dma_start3A_12] : memref<32x40x125xi32, #tpu.memory_space<hbm>> -> memref<1x40x125xi32, #tpu.memory_space<hbm>>
      %dma_start3A_14 = tpu.memref_squeeze %dma_start3A_13 : memref<1x40x125xi32, #tpu.memory_space<hbm>> -> memref<40x125xi32, #tpu.memory_space<hbm>>
      tpu.enqueue_dma source(%dma_start3A_14 : memref<40x125xi32, #tpu.memory_space<hbm>>) target(%arg8 : memref<40x125xi32, #tpu.memory_space<vmem>>) target_semaphore(%run_scoped3A : memref<!tpu.dma_semaphore, #tpu.memory_space<semaphore_mem>>)
      %dma_wait3A = arith.constant 0 : i32
      %dma_wait3A_15 = arith.constant 0 : i32
      %dma_wait3A_16 = tpu.memref_slice %arg4[%add3A, %dma_wait3A, %dma_wait3A_15] : memref<32x40x125xi32, #tpu.memory_space<hbm>> -> memref<1x40x125xi32, #tpu.memory_space<hbm>>
      %dma_wait3A_17 = tpu.memref_squeeze %dma_wait3A_16 : memref<1x40x125xi32, #tpu.memory_space<hbm>> -> memref<40x125xi32, #tpu.memory_space<hbm>>
      %dma_wait3A_18 = arith.constant 0 : i32
      %dma_wait3A_19 = arith.constant 0 : i32
      %dma_wait3A_20 = tpu.memref_slice %arg4[%add3A, %dma_wait3A_18, %dma_wait3A_19] : memref<32x40x125xi32, #tpu.memory_space<hbm>> -> memref<1x40x125xi32, #tpu.memory_space<hbm>>
      %dma_wait3A_21 = tpu.memref_squeeze %dma_wait3A_20 : memref<1x40x125xi32, #tpu.memory_space<hbm>> -> memref<40x125xi32, #tpu.memory_space<hbm>>
      tpu.wait_dma2 semaphore(%run_scoped3A : memref<!tpu.dma_semaphore, #tpu.memory_space<semaphore_mem>>) src(%dma_wait3A_21 : memref<40x125xi32, #tpu.memory_space<hbm>>) dst(%arg8 : memref<40x125xi32, #tpu.memory_space<vmem>>)
      tpu.yield
    }) : () -> ()
    "tpu.region"() ({
      %run_scoped3A = tpu.sem_alloc : memref<!tpu.dma_semaphore, #tpu.memory_space<semaphore_mem>>
      %dma_start3A = arith.constant 0 : i32
      %dma_start3A_8 = arith.constant 0 : i32
      %dma_start3A_9 = tpu.memref_slice %arg5[%add3A, %dma_start3A, %dma_start3A_8] : memref<32x40x125xi32, #tpu.memory_space<hbm>> -> memref<1x40x125xi32, #tpu.memory_space<hbm>>
      %dma_start3A_10 = tpu.memref_squeeze %dma_start3A_9 : memref<1x40x125xi32, #tpu.memory_space<hbm>> -> memref<40x125xi32, #tpu.memory_space<hbm>>
      %dma_start3A_11 = arith.constant 0 : i32
      %dma_start3A_12 = arith.constant 0 : i32
      %dma_start3A_13 = tpu.memref_slice %arg5[%add3A, %dma_start3A_11, %dma_start3A_12] : memref<32x40x125xi32, #tpu.memory_space<hbm>> -> memref<1x40x125xi32, #tpu.memory_space<hbm>>
      %dma_start3A_14 = tpu.memref_squeeze %dma_start3A_13 : memref<1x40x125xi32, #tpu.memory_space<hbm>> -> memref<40x125xi32, #tpu.memory_space<hbm>>
      tpu.enqueue_dma source(%dma_start3A_14 : memref<40x125xi32, #tpu.memory_space<hbm>>) target(%arg9 : memref<40x125xi32, #tpu.memory_space<vmem>>) target_semaphore(%run_scoped3A : memref<!tpu.dma_semaphore, #tpu.memory_space<semaphore_mem>>)
      %dma_wait3A = arith.constant 0 : i32
      %dma_wait3A_15 = arith.constant 0 : i32
      %dma_wait3A_16 = tpu.memref_slice %arg5[%add3A, %dma_wait3A, %dma_wait3A_15] : memref<32x40x125xi32, #tpu.memory_space<hbm>> -> memref<1x40x125xi32, #tpu.memory_space<hbm>>
      %dma_wait3A_17 = tpu.memref_squeeze %dma_wait3A_16 : memref<1x40x125xi32, #tpu.memory_space<hbm>> -> memref<40x125xi32, #tpu.memory_space<hbm>>
      %dma_wait3A_18 = arith.constant 0 : i32
      %dma_wait3A_19 = arith.constant 0 : i32
      %dma_wait3A_20 = tpu.memref_slice %arg5[%add3A, %dma_wait3A_18, %dma_wait3A_19] : memref<32x40x125xi32, #tpu.memory_space<hbm>> -> memref<1x40x125xi32, #tpu.memory_space<hbm>>
      %dma_wait3A_21 = tpu.memref_squeeze %dma_wait3A_20 : memref<1x40x125xi32, #tpu.memory_space<hbm>> -> memref<40x125xi32, #tpu.memory_space<hbm>>
      tpu.wait_dma2 semaphore(%run_scoped3A : memref<!tpu.dma_semaphore, #tpu.memory_space<semaphore_mem>>) src(%dma_wait3A_21 : memref<40x125xi32, #tpu.memory_space<hbm>>) dst(%arg9 : memref<40x125xi32, #tpu.memory_space<vmem>>)
      tpu.yield
    }) : () -> ()
    %mul3A_1 = arith.constant 5000 : i32
    %mul3A_2 = arith.muli %add3A, %mul3A_1 : i32
    %scan3A = arith.constant 0 : i32
    %scan3A_3 = arith.constant 0 : i32
    %scan3A_4 = arith.constant 40 : i32
    %scan3A_5 = arith.addi %scan3A_3, %scan3A_4 : i32
    %scan3A_6 = arith.constant 1 : i32
    scf.for %scan3A_8 = %scan3A_3 to %scan3A_5 step %scan3A_6  : i32 {
      %mul3A_9 = arith.constant 125 : i32
      %mul3A_10 = arith.muli %scan3A_8, %mul3A_9 : i32
      %add3A_11 = arith.addi %mul3A_2, %mul3A_10 : i32
      "tpu.region"() ({
        %run_scoped3A = tpu.sem_alloc : memref<!tpu.dma_semaphore, #tpu.memory_space<semaphore_mem>>
        %dma_start3A = arith.constant 0 : i32
        %dma_start3A_12 = tpu.memref_slice %arg8[%scan3A_8, %dma_start3A] : memref<40x125xi32, #tpu.memory_space<vmem>> -> memref<1x125xi32, #tpu.memory_space<vmem>>
        %dma_start3A_13 = tpu.memref_squeeze %dma_start3A_12 : memref<1x125xi32, #tpu.memory_space<vmem>> -> memref<125xi32, #tpu.memory_space<vmem>>
        %dma_start3A_14 = arith.constant 0 : i32
        %dma_start3A_15 = arith.constant 0 : i32
        %dma_start3A_16 = tpu.memref_slice %arg2[%dma_start3A_14, %dma_start3A_15] : memref<10000x256xf32, #tpu.memory_space<hbm>> -> memref<10000x256xf32, #tpu.memory_space<hbm>>
        tpu.enqueue_indirect_dma source(%dma_start3A_16 : memref<10000x256xf32, #tpu.memory_space<hbm>>) target(%arg10 : memref<125x256xf32, #tpu.memory_space<vmem>>) offsets(%dma_start3A_13 : memref<125xi32, #tpu.memory_space<vmem>>) semaphore(%run_scoped3A : memref<!tpu.dma_semaphore, #tpu.memory_space<semaphore_mem>>)
        %dma_wait3A = arith.constant 0 : i32
        %dma_wait3A_17 = tpu.memref_slice %arg8[%scan3A_8, %dma_wait3A] : memref<40x125xi32, #tpu.memory_space<vmem>> -> memref<1x125xi32, #tpu.memory_space<vmem>>
        %dma_wait3A_18 = tpu.memref_squeeze %dma_wait3A_17 : memref<1x125xi32, #tpu.memory_space<vmem>> -> memref<125xi32, #tpu.memory_space<vmem>>
        %dma_wait3A_19 = arith.constant 0 : i32
        %dma_wait3A_20 = arith.constant 0 : i32
        %dma_wait3A_21 = tpu.memref_slice %arg2[%dma_wait3A_19, %dma_wait3A_20] : memref<10000x256xf32, #tpu.memory_space<hbm>> -> memref<10000x256xf32, #tpu.memory_space<hbm>>
        tpu.wait_indirect_dma semaphore(%run_scoped3A : memref<!tpu.dma_semaphore, #tpu.memory_space<semaphore_mem>>) src(%dma_wait3A_21 : memref<10000x256xf32, #tpu.memory_space<hbm>>) dst(%arg10 : memref<125x256xf32, #tpu.memory_space<vmem>>)
        tpu.yield
      }) : () -> ()
      "tpu.region"() ({
        %run_scoped3A = tpu.sem_alloc : memref<!tpu.dma_semaphore, #tpu.memory_space<semaphore_mem>>
        %dma_start3A = arith.constant 0 : i32
        %dma_start3A_12 = tpu.memref_slice %arg6[%add3A_11, %dma_start3A] : memref<160000x256xf32, #tpu.memory_space<hbm>> -> memref<125x256xf32, #tpu.memory_space<hbm>>
        %dma_start3A_13 = arith.constant 0 : i32
        %dma_start3A_14 = tpu.memref_slice %arg6[%add3A_11, %dma_start3A_13] : memref<160000x256xf32, #tpu.memory_space<hbm>> -> memref<125x256xf32, #tpu.memory_space<hbm>>
        tpu.enqueue_dma source(%arg10 : memref<125x256xf32, #tpu.memory_space<vmem>>) target(%dma_start3A_14 : memref<125x256xf32, #tpu.memory_space<hbm>>) target_semaphore(%run_scoped3A : memref<!tpu.dma_semaphore, #tpu.memory_space<semaphore_mem>>)
        %dma_wait3A = arith.constant 0 : i32
        %dma_wait3A_15 = tpu.memref_slice %arg6[%add3A_11, %dma_wait3A] : memref<160000x256xf32, #tpu.memory_space<hbm>> -> memref<125x256xf32, #tpu.memory_space<hbm>>
        %dma_wait3A_16 = arith.constant 0 : i32
        %dma_wait3A_17 = tpu.memref_slice %arg6[%add3A_11, %dma_wait3A_16] : memref<160000x256xf32, #tpu.memory_space<hbm>> -> memref<125x256xf32, #tpu.memory_space<hbm>>
        tpu.wait_dma2 semaphore(%run_scoped3A : memref<!tpu.dma_semaphore, #tpu.memory_space<semaphore_mem>>) src(%arg10 : memref<125x256xf32, #tpu.memory_space<vmem>>) dst(%dma_wait3A_17 : memref<125x256xf32, #tpu.memory_space<hbm>>)
        tpu.yield
      }) : () -> ()
      "tpu.region"() ({
        %run_scoped3A = tpu.sem_alloc : memref<!tpu.dma_semaphore, #tpu.memory_space<semaphore_mem>>
        %dma_start3A = arith.constant 0 : i32
        %dma_start3A_12 = tpu.memref_slice %arg9[%scan3A_8, %dma_start3A] : memref<40x125xi32, #tpu.memory_space<vmem>> -> memref<1x125xi32, #tpu.memory_space<vmem>>
        %dma_start3A_13 = tpu.memref_squeeze %dma_start3A_12 : memref<1x125xi32, #tpu.memory_space<vmem>> -> memref<125xi32, #tpu.memory_space<vmem>>
        %dma_start3A_14 = arith.constant 0 : i32
        %dma_start3A_15 = arith.constant 0 : i32
        %dma_start3A_16 = tpu.memref_slice %arg3[%dma_start3A_14, %dma_start3A_15] : memref<10000x256xf32, #tpu.memory_space<hbm>> -> memref<10000x256xf32, #tpu.memory_space<hbm>>
        tpu.enqueue_indirect_dma source(%dma_start3A_16 : memref<10000x256xf32, #tpu.memory_space<hbm>>) target(%arg11 : memref<125x256xf32, #tpu.memory_space<vmem>>) offsets(%dma_start3A_13 : memref<125xi32, #tpu.memory_space<vmem>>) semaphore(%run_scoped3A : memref<!tpu.dma_semaphore, #tpu.memory_space<semaphore_mem>>)
        %dma_wait3A = arith.constant 0 : i32
        %dma_wait3A_17 = tpu.memref_slice %arg9[%scan3A_8, %dma_wait3A] : memref<40x125xi32, #tpu.memory_space<vmem>> -> memref<1x125xi32, #tpu.memory_space<vmem>>
        %dma_wait3A_18 = tpu.memref_squeeze %dma_wait3A_17 : memref<1x125xi32, #tpu.memory_space<vmem>> -> memref<125xi32, #tpu.memory_space<vmem>>
        %dma_wait3A_19 = arith.constant 0 : i32
        %dma_wait3A_20 = arith.constant 0 : i32
        %dma_wait3A_21 = tpu.memref_slice %arg3[%dma_wait3A_19, %dma_wait3A_20] : memref<10000x256xf32, #tpu.memory_space<hbm>> -> memref<10000x256xf32, #tpu.memory_space<hbm>>
        tpu.wait_indirect_dma semaphore(%run_scoped3A : memref<!tpu.dma_semaphore, #tpu.memory_space<semaphore_mem>>) src(%dma_wait3A_21 : memref<10000x256xf32, #tpu.memory_space<hbm>>) dst(%arg11 : memref<125x256xf32, #tpu.memory_space<vmem>>)
        tpu.yield
      }) : () -> ()
      "tpu.region"() ({
        %run_scoped3A = tpu.sem_alloc : memref<!tpu.dma_semaphore, #tpu.memory_space<semaphore_mem>>
        %dma_start3A = arith.constant 0 : i32
        %dma_start3A_12 = tpu.memref_slice %arg7[%add3A_11, %dma_start3A] : memref<160000x256xf32, #tpu.memory_space<hbm>> -> memref<125x256xf32, #tpu.memory_space<hbm>>
        %dma_start3A_13 = arith.constant 0 : i32
        %dma_start3A_14 = tpu.memref_slice %arg7[%add3A_11, %dma_start3A_13] : memref<160000x256xf32, #tpu.memory_space<hbm>> -> memref<125x256xf32, #tpu.memory_space<hbm>>
        tpu.enqueue_dma source(%arg11 : memref<125x256xf32, #tpu.memory_space<vmem>>) target(%dma_start3A_14 : memref<125x256xf32, #tpu.memory_space<hbm>>) target_semaphore(%run_scoped3A : memref<!tpu.dma_semaphore, #tpu.memory_space<semaphore_mem>>)
        %dma_wait3A = arith.constant 0 : i32
        %dma_wait3A_15 = tpu.memref_slice %arg7[%add3A_11, %dma_wait3A] : memref<160000x256xf32, #tpu.memory_space<hbm>> -> memref<125x256xf32, #tpu.memory_space<hbm>>
        %dma_wait3A_16 = arith.constant 0 : i32
        %dma_wait3A_17 = tpu.memref_slice %arg7[%add3A_11, %dma_wait3A_16] : memref<160000x256xf32, #tpu.memory_space<hbm>> -> memref<125x256xf32, #tpu.memory_space<hbm>>
        tpu.wait_dma2 semaphore(%run_scoped3A : memref<!tpu.dma_semaphore, #tpu.memory_space<semaphore_mem>>) src(%arg11 : memref<125x256xf32, #tpu.memory_space<vmem>>) dst(%dma_wait3A_17 : memref<125x256xf32, #tpu.memory_space<hbm>>)
        tpu.yield
      }) : () -> ()
    }
    %scan3A_7 = arith.constant 40 : i32
    return
  }
}

#map = affine_map<(d0, d1) -> (0, 0)>
#map1 = affine_map<(d0, d1) -> (0, 0, 0)>
module attributes {stable_mosaic.version = 14 : i64} {
  func.func @seg(%arg0: i32, %arg1: i32, %arg2: memref<10000x128xf32, #tpu.memory_space<hbm>>, %arg3: memref<32x40x125xi32, #tpu.memory_space<hbm>>, %arg4: memref<32x40x125xi32, #tpu.memory_space<hbm>>, %arg5: memref<128x128xf32, #tpu.memory_space<hbm>>, %arg6: memref<2x10240x128xf32, #tpu.memory_space<hbm>>, %arg7: memref<40x125xi32, #tpu.memory_space<vmem>>, %arg8: memref<40x125xi32, #tpu.memory_space<vmem>>, %arg9: memref<125x128xf32, #tpu.memory_space<vmem>>, %arg10: memref<128x128xf32, #tpu.memory_space<vmem>>, %arg11: memref<10240x128xf32, #tpu.memory_space<vmem_shared>>, %arg12: memref<!tpu.dma_semaphore, #tpu.memory_space<semaphore_mem>>, %arg13: memref<!tpu.dma_semaphore, #tpu.memory_space<semaphore_mem>>) attributes {dimension_semantics = [#tpu.dimension_semantics<core_parallel>, #tpu.dimension_semantics<subcore_parallel>], iteration_bounds = array<i64: 2, 16>, scalar_prefetch = 0 : i64, scratch_operands = 7 : i64, tpu.core_type = #tpu.core_type<sc_vector_subcore>, window_params = [{transform_indices = #map}, {transform_indices = #map1}, {transform_indices = #map1}, {transform_indices = #map}, {transform_indices = #map1}]} {
    %mul3A = arith.constant 16 : i32
    %mul3A_0 = arith.muli %arg0, %mul3A : i32
    %add3A = arith.addi %mul3A_0, %arg1 : i32
    "tpu.region"() ({
      %run_scoped3A = tpu.sem_alloc : memref<!tpu.dma_semaphore, #tpu.memory_space<semaphore_mem>>
      %dma_start3A = arith.constant 0 : i32
      %dma_start3A_29 = arith.constant 0 : i32
      %dma_start3A_30 = tpu.memref_slice %arg3[%add3A, %dma_start3A, %dma_start3A_29] : memref<32x40x125xi32, #tpu.memory_space<hbm>> -> memref<1x40x125xi32, #tpu.memory_space<hbm>>
      %dma_start3A_31 = tpu.memref_squeeze %dma_start3A_30 : memref<1x40x125xi32, #tpu.memory_space<hbm>> -> memref<40x125xi32, #tpu.memory_space<hbm>>
      %dma_start3A_32 = arith.constant 0 : i32
      %dma_start3A_33 = arith.constant 0 : i32
      %dma_start3A_34 = tpu.memref_slice %arg3[%add3A, %dma_start3A_32, %dma_start3A_33] : memref<32x40x125xi32, #tpu.memory_space<hbm>> -> memref<1x40x125xi32, #tpu.memory_space<hbm>>
      %dma_start3A_35 = tpu.memref_squeeze %dma_start3A_34 : memref<1x40x125xi32, #tpu.memory_space<hbm>> -> memref<40x125xi32, #tpu.memory_space<hbm>>
      tpu.enqueue_dma source(%dma_start3A_35 : memref<40x125xi32, #tpu.memory_space<hbm>>) target(%arg7 : memref<40x125xi32, #tpu.memory_space<vmem>>) target_semaphore(%run_scoped3A : memref<!tpu.dma_semaphore, #tpu.memory_space<semaphore_mem>>)
      %dma_wait3A = arith.constant 0 : i32
      %dma_wait3A_36 = arith.constant 0 : i32
      %dma_wait3A_37 = tpu.memref_slice %arg3[%add3A, %dma_wait3A, %dma_wait3A_36] : memref<32x40x125xi32, #tpu.memory_space<hbm>> -> memref<1x40x125xi32, #tpu.memory_space<hbm>>
      %dma_wait3A_38 = tpu.memref_squeeze %dma_wait3A_37 : memref<1x40x125xi32, #tpu.memory_space<hbm>> -> memref<40x125xi32, #tpu.memory_space<hbm>>
      %dma_wait3A_39 = arith.constant 0 : i32
      %dma_wait3A_40 = arith.constant 0 : i32
      %dma_wait3A_41 = tpu.memref_slice %arg3[%add3A, %dma_wait3A_39, %dma_wait3A_40] : memref<32x40x125xi32, #tpu.memory_space<hbm>> -> memref<1x40x125xi32, #tpu.memory_space<hbm>>
      %dma_wait3A_42 = tpu.memref_squeeze %dma_wait3A_41 : memref<1x40x125xi32, #tpu.memory_space<hbm>> -> memref<40x125xi32, #tpu.memory_space<hbm>>
      tpu.wait_dma2 semaphore(%run_scoped3A : memref<!tpu.dma_semaphore, #tpu.memory_space<semaphore_mem>>) src(%dma_wait3A_42 : memref<40x125xi32, #tpu.memory_space<hbm>>) dst(%arg7 : memref<40x125xi32, #tpu.memory_space<vmem>>)
      tpu.yield
    }) : () -> ()
    "tpu.region"() ({
      %run_scoped3A = tpu.sem_alloc : memref<!tpu.dma_semaphore, #tpu.memory_space<semaphore_mem>>
      %dma_start3A = arith.constant 0 : i32
      %dma_start3A_29 = arith.constant 0 : i32
      %dma_start3A_30 = tpu.memref_slice %arg4[%add3A, %dma_start3A, %dma_start3A_29] : memref<32x40x125xi32, #tpu.memory_space<hbm>> -> memref<1x40x125xi32, #tpu.memory_space<hbm>>
      %dma_start3A_31 = tpu.memref_squeeze %dma_start3A_30 : memref<1x40x125xi32, #tpu.memory_space<hbm>> -> memref<40x125xi32, #tpu.memory_space<hbm>>
      %dma_start3A_32 = arith.constant 0 : i32
      %dma_start3A_33 = arith.constant 0 : i32
      %dma_start3A_34 = tpu.memref_slice %arg4[%add3A, %dma_start3A_32, %dma_start3A_33] : memref<32x40x125xi32, #tpu.memory_space<hbm>> -> memref<1x40x125xi32, #tpu.memory_space<hbm>>
      %dma_start3A_35 = tpu.memref_squeeze %dma_start3A_34 : memref<1x40x125xi32, #tpu.memory_space<hbm>> -> memref<40x125xi32, #tpu.memory_space<hbm>>
      tpu.enqueue_dma source(%dma_start3A_35 : memref<40x125xi32, #tpu.memory_space<hbm>>) target(%arg8 : memref<40x125xi32, #tpu.memory_space<vmem>>) target_semaphore(%run_scoped3A : memref<!tpu.dma_semaphore, #tpu.memory_space<semaphore_mem>>)
      %dma_wait3A = arith.constant 0 : i32
      %dma_wait3A_36 = arith.constant 0 : i32
      %dma_wait3A_37 = tpu.memref_slice %arg4[%add3A, %dma_wait3A, %dma_wait3A_36] : memref<32x40x125xi32, #tpu.memory_space<hbm>> -> memref<1x40x125xi32, #tpu.memory_space<hbm>>
      %dma_wait3A_38 = tpu.memref_squeeze %dma_wait3A_37 : memref<1x40x125xi32, #tpu.memory_space<hbm>> -> memref<40x125xi32, #tpu.memory_space<hbm>>
      %dma_wait3A_39 = arith.constant 0 : i32
      %dma_wait3A_40 = arith.constant 0 : i32
      %dma_wait3A_41 = tpu.memref_slice %arg4[%add3A, %dma_wait3A_39, %dma_wait3A_40] : memref<32x40x125xi32, #tpu.memory_space<hbm>> -> memref<1x40x125xi32, #tpu.memory_space<hbm>>
      %dma_wait3A_42 = tpu.memref_squeeze %dma_wait3A_41 : memref<1x40x125xi32, #tpu.memory_space<hbm>> -> memref<40x125xi32, #tpu.memory_space<hbm>>
      tpu.wait_dma2 semaphore(%run_scoped3A : memref<!tpu.dma_semaphore, #tpu.memory_space<semaphore_mem>>) src(%dma_wait3A_42 : memref<40x125xi32, #tpu.memory_space<hbm>>) dst(%arg8 : memref<40x125xi32, #tpu.memory_space<vmem>>)
      tpu.yield
    }) : () -> ()
    "tpu.region"() ({
      %run_scoped3A = tpu.sem_alloc : memref<!tpu.dma_semaphore, #tpu.memory_space<semaphore_mem>>
      tpu.enqueue_dma source(%arg5 : memref<128x128xf32, #tpu.memory_space<hbm>>) target(%arg10 : memref<128x128xf32, #tpu.memory_space<vmem>>) target_semaphore(%run_scoped3A : memref<!tpu.dma_semaphore, #tpu.memory_space<semaphore_mem>>)
      tpu.wait_dma2 semaphore(%run_scoped3A : memref<!tpu.dma_semaphore, #tpu.memory_space<semaphore_mem>>) src(%arg5 : memref<128x128xf32, #tpu.memory_space<hbm>>) dst(%arg10 : memref<128x128xf32, #tpu.memory_space<vmem>>)
      tpu.yield
    }) : () -> ()
    %mul3A_1 = arith.constant 640 : i32
    %mul3A_2 = arith.muli %arg1, %mul3A_1 : i32
    %add3A_3 = arith.constant 0 : i32
    %add3A_4 = arith.addi %mul3A_2, %add3A_3 : i32
    "tpu.region"() ({
      %run_scoped3A = tpu.sem_alloc : memref<!tpu.dma_semaphore, #tpu.memory_space<semaphore_mem>>
      %dma_start3A = arith.constant 0 : i32
      %dma_start3A_29 = tpu.memref_slice %arg11[%add3A_4, %dma_start3A] : memref<10240x128xf32, #tpu.memory_space<vmem_shared>> -> memref<128x128xf32, #tpu.memory_space<vmem_shared>>
      %dma_start3A_30 = arith.constant 0 : i32
      %dma_start3A_31 = tpu.memref_slice %arg11[%add3A_4, %dma_start3A_30] : memref<10240x128xf32, #tpu.memory_space<vmem_shared>> -> memref<128x128xf32, #tpu.memory_space<vmem_shared>>
      tpu.enqueue_dma source(%arg10 : memref<128x128xf32, #tpu.memory_space<vmem>>) target(%dma_start3A_31 : memref<128x128xf32, #tpu.memory_space<vmem_shared>>) target_semaphore(%run_scoped3A : memref<!tpu.dma_semaphore, #tpu.memory_space<semaphore_mem>>)
      %dma_wait3A = arith.constant 0 : i32
      %dma_wait3A_32 = tpu.memref_slice %arg11[%add3A_4, %dma_wait3A] : memref<10240x128xf32, #tpu.memory_space<vmem_shared>> -> memref<128x128xf32, #tpu.memory_space<vmem_shared>>
      %dma_wait3A_33 = arith.constant 0 : i32
      %dma_wait3A_34 = tpu.memref_slice %arg11[%add3A_4, %dma_wait3A_33] : memref<10240x128xf32, #tpu.memory_space<vmem_shared>> -> memref<128x128xf32, #tpu.memory_space<vmem_shared>>
      tpu.wait_dma2 semaphore(%run_scoped3A : memref<!tpu.dma_semaphore, #tpu.memory_space<semaphore_mem>>) src(%arg10 : memref<128x128xf32, #tpu.memory_space<vmem>>) dst(%dma_wait3A_34 : memref<128x128xf32, #tpu.memory_space<vmem_shared>>)
      tpu.yield
    }) : () -> ()
    %add3A_5 = arith.constant 128 : i32
    %add3A_6 = arith.addi %mul3A_2, %add3A_5 : i32
    "tpu.region"() ({
      %run_scoped3A = tpu.sem_alloc : memref<!tpu.dma_semaphore, #tpu.memory_space<semaphore_mem>>
      %dma_start3A = arith.constant 0 : i32
      %dma_start3A_29 = tpu.memref_slice %arg11[%add3A_6, %dma_start3A] : memref<10240x128xf32, #tpu.memory_space<vmem_shared>> -> memref<128x128xf32, #tpu.memory_space<vmem_shared>>
      %dma_start3A_30 = arith.constant 0 : i32
      %dma_start3A_31 = tpu.memref_slice %arg11[%add3A_6, %dma_start3A_30] : memref<10240x128xf32, #tpu.memory_space<vmem_shared>> -> memref<128x128xf32, #tpu.memory_space<vmem_shared>>
      tpu.enqueue_dma source(%arg10 : memref<128x128xf32, #tpu.memory_space<vmem>>) target(%dma_start3A_31 : memref<128x128xf32, #tpu.memory_space<vmem_shared>>) target_semaphore(%run_scoped3A : memref<!tpu.dma_semaphore, #tpu.memory_space<semaphore_mem>>)
      %dma_wait3A = arith.constant 0 : i32
      %dma_wait3A_32 = tpu.memref_slice %arg11[%add3A_6, %dma_wait3A] : memref<10240x128xf32, #tpu.memory_space<vmem_shared>> -> memref<128x128xf32, #tpu.memory_space<vmem_shared>>
      %dma_wait3A_33 = arith.constant 0 : i32
      %dma_wait3A_34 = tpu.memref_slice %arg11[%add3A_6, %dma_wait3A_33] : memref<10240x128xf32, #tpu.memory_space<vmem_shared>> -> memref<128x128xf32, #tpu.memory_space<vmem_shared>>
      tpu.wait_dma2 semaphore(%run_scoped3A : memref<!tpu.dma_semaphore, #tpu.memory_space<semaphore_mem>>) src(%arg10 : memref<128x128xf32, #tpu.memory_space<vmem>>) dst(%dma_wait3A_34 : memref<128x128xf32, #tpu.memory_space<vmem_shared>>)
      tpu.yield
    }) : () -> ()
    %add3A_7 = arith.constant 256 : i32
    %add3A_8 = arith.addi %mul3A_2, %add3A_7 : i32
    "tpu.region"() ({
      %run_scoped3A = tpu.sem_alloc : memref<!tpu.dma_semaphore, #tpu.memory_space<semaphore_mem>>
      %dma_start3A = arith.constant 0 : i32
      %dma_start3A_29 = tpu.memref_slice %arg11[%add3A_8, %dma_start3A] : memref<10240x128xf32, #tpu.memory_space<vmem_shared>> -> memref<128x128xf32, #tpu.memory_space<vmem_shared>>
      %dma_start3A_30 = arith.constant 0 : i32
      %dma_start3A_31 = tpu.memref_slice %arg11[%add3A_8, %dma_start3A_30] : memref<10240x128xf32, #tpu.memory_space<vmem_shared>> -> memref<128x128xf32, #tpu.memory_space<vmem_shared>>
      tpu.enqueue_dma source(%arg10 : memref<128x128xf32, #tpu.memory_space<vmem>>) target(%dma_start3A_31 : memref<128x128xf32, #tpu.memory_space<vmem_shared>>) target_semaphore(%run_scoped3A : memref<!tpu.dma_semaphore, #tpu.memory_space<semaphore_mem>>)
      %dma_wait3A = arith.constant 0 : i32
      %dma_wait3A_32 = tpu.memref_slice %arg11[%add3A_8, %dma_wait3A] : memref<10240x128xf32, #tpu.memory_space<vmem_shared>> -> memref<128x128xf32, #tpu.memory_space<vmem_shared>>
      %dma_wait3A_33 = arith.constant 0 : i32
      %dma_wait3A_34 = tpu.memref_slice %arg11[%add3A_8, %dma_wait3A_33] : memref<10240x128xf32, #tpu.memory_space<vmem_shared>> -> memref<128x128xf32, #tpu.memory_space<vmem_shared>>
      tpu.wait_dma2 semaphore(%run_scoped3A : memref<!tpu.dma_semaphore, #tpu.memory_space<semaphore_mem>>) src(%arg10 : memref<128x128xf32, #tpu.memory_space<vmem>>) dst(%dma_wait3A_34 : memref<128x128xf32, #tpu.memory_space<vmem_shared>>)
      tpu.yield
    }) : () -> ()
    %add3A_9 = arith.constant 384 : i32
    %add3A_10 = arith.addi %mul3A_2, %add3A_9 : i32
    "tpu.region"() ({
      %run_scoped3A = tpu.sem_alloc : memref<!tpu.dma_semaphore, #tpu.memory_space<semaphore_mem>>
      %dma_start3A = arith.constant 0 : i32
      %dma_start3A_29 = tpu.memref_slice %arg11[%add3A_10, %dma_start3A] : memref<10240x128xf32, #tpu.memory_space<vmem_shared>> -> memref<128x128xf32, #tpu.memory_space<vmem_shared>>
      %dma_start3A_30 = arith.constant 0 : i32
      %dma_start3A_31 = tpu.memref_slice %arg11[%add3A_10, %dma_start3A_30] : memref<10240x128xf32, #tpu.memory_space<vmem_shared>> -> memref<128x128xf32, #tpu.memory_space<vmem_shared>>
      tpu.enqueue_dma source(%arg10 : memref<128x128xf32, #tpu.memory_space<vmem>>) target(%dma_start3A_31 : memref<128x128xf32, #tpu.memory_space<vmem_shared>>) target_semaphore(%run_scoped3A : memref<!tpu.dma_semaphore, #tpu.memory_space<semaphore_mem>>)
      %dma_wait3A = arith.constant 0 : i32
      %dma_wait3A_32 = tpu.memref_slice %arg11[%add3A_10, %dma_wait3A] : memref<10240x128xf32, #tpu.memory_space<vmem_shared>> -> memref<128x128xf32, #tpu.memory_space<vmem_shared>>
      %dma_wait3A_33 = arith.constant 0 : i32
      %dma_wait3A_34 = tpu.memref_slice %arg11[%add3A_10, %dma_wait3A_33] : memref<10240x128xf32, #tpu.memory_space<vmem_shared>> -> memref<128x128xf32, #tpu.memory_space<vmem_shared>>
      tpu.wait_dma2 semaphore(%run_scoped3A : memref<!tpu.dma_semaphore, #tpu.memory_space<semaphore_mem>>) src(%arg10 : memref<128x128xf32, #tpu.memory_space<vmem>>) dst(%dma_wait3A_34 : memref<128x128xf32, #tpu.memory_space<vmem_shared>>)
      tpu.yield
    }) : () -> ()
    %add3A_11 = arith.constant 512 : i32
    %add3A_12 = arith.addi %mul3A_2, %add3A_11 : i32
    "tpu.region"() ({
      %run_scoped3A = tpu.sem_alloc : memref<!tpu.dma_semaphore, #tpu.memory_space<semaphore_mem>>
      %dma_start3A = arith.constant 0 : i32
      %dma_start3A_29 = tpu.memref_slice %arg11[%add3A_12, %dma_start3A] : memref<10240x128xf32, #tpu.memory_space<vmem_shared>> -> memref<128x128xf32, #tpu.memory_space<vmem_shared>>
      %dma_start3A_30 = arith.constant 0 : i32
      %dma_start3A_31 = tpu.memref_slice %arg11[%add3A_12, %dma_start3A_30] : memref<10240x128xf32, #tpu.memory_space<vmem_shared>> -> memref<128x128xf32, #tpu.memory_space<vmem_shared>>
      tpu.enqueue_dma source(%arg10 : memref<128x128xf32, #tpu.memory_space<vmem>>) target(%dma_start3A_31 : memref<128x128xf32, #tpu.memory_space<vmem_shared>>) target_semaphore(%run_scoped3A : memref<!tpu.dma_semaphore, #tpu.memory_space<semaphore_mem>>)
      %dma_wait3A = arith.constant 0 : i32
      %dma_wait3A_32 = tpu.memref_slice %arg11[%add3A_12, %dma_wait3A] : memref<10240x128xf32, #tpu.memory_space<vmem_shared>> -> memref<128x128xf32, #tpu.memory_space<vmem_shared>>
      %dma_wait3A_33 = arith.constant 0 : i32
      %dma_wait3A_34 = tpu.memref_slice %arg11[%add3A_12, %dma_wait3A_33] : memref<10240x128xf32, #tpu.memory_space<vmem_shared>> -> memref<128x128xf32, #tpu.memory_space<vmem_shared>>
      tpu.wait_dma2 semaphore(%run_scoped3A : memref<!tpu.dma_semaphore, #tpu.memory_space<semaphore_mem>>) src(%arg10 : memref<128x128xf32, #tpu.memory_space<vmem>>) dst(%dma_wait3A_34 : memref<128x128xf32, #tpu.memory_space<vmem_shared>>)
      tpu.yield
    }) : () -> ()
    %barrier3A = arith.constant 0 : index
    tpu.barrier barrier_id(%barrier3A)
    %scan3A = arith.constant 0 : i32
    %scan3A_13 = arith.constant 0 : i32
    %scan3A_14 = arith.constant 40 : i32
    %scan3A_15 = arith.addi %scan3A_13, %scan3A_14 : i32
    %scan3A_16 = arith.constant 1 : i32
    scf.for %scan3A_29 = %scan3A_13 to %scan3A_15 step %scan3A_16  : i32 {
      "tpu.region"() ({
        %run_scoped3A = tpu.sem_alloc : memref<!tpu.dma_semaphore, #tpu.memory_space<semaphore_mem>>
        %dma_start3A = arith.constant 0 : i32
        %dma_start3A_30 = tpu.memref_slice %arg7[%scan3A_29, %dma_start3A] : memref<40x125xi32, #tpu.memory_space<vmem>> -> memref<1x125xi32, #tpu.memory_space<vmem>>
        %dma_start3A_31 = tpu.memref_squeeze %dma_start3A_30 : memref<1x125xi32, #tpu.memory_space<vmem>> -> memref<125xi32, #tpu.memory_space<vmem>>
        %dma_start3A_32 = arith.constant 0 : i32
        %dma_start3A_33 = arith.constant 0 : i32
        %dma_start3A_34 = tpu.memref_slice %arg2[%dma_start3A_32, %dma_start3A_33] : memref<10000x128xf32, #tpu.memory_space<hbm>> -> memref<10000x128xf32, #tpu.memory_space<hbm>>
        tpu.enqueue_indirect_dma source(%dma_start3A_34 : memref<10000x128xf32, #tpu.memory_space<hbm>>) target(%arg9 : memref<125x128xf32, #tpu.memory_space<vmem>>) offsets(%dma_start3A_31 : memref<125xi32, #tpu.memory_space<vmem>>) semaphore(%run_scoped3A : memref<!tpu.dma_semaphore, #tpu.memory_space<semaphore_mem>>)
        %dma_wait3A = arith.constant 0 : i32
        %dma_wait3A_35 = tpu.memref_slice %arg7[%scan3A_29, %dma_wait3A] : memref<40x125xi32, #tpu.memory_space<vmem>> -> memref<1x125xi32, #tpu.memory_space<vmem>>
        %dma_wait3A_36 = tpu.memref_squeeze %dma_wait3A_35 : memref<1x125xi32, #tpu.memory_space<vmem>> -> memref<125xi32, #tpu.memory_space<vmem>>
        %dma_wait3A_37 = arith.constant 0 : i32
        %dma_wait3A_38 = arith.constant 0 : i32
        %dma_wait3A_39 = tpu.memref_slice %arg2[%dma_wait3A_37, %dma_wait3A_38] : memref<10000x128xf32, #tpu.memory_space<hbm>> -> memref<10000x128xf32, #tpu.memory_space<hbm>>
        tpu.wait_indirect_dma semaphore(%run_scoped3A : memref<!tpu.dma_semaphore, #tpu.memory_space<semaphore_mem>>) src(%dma_wait3A_39 : memref<10000x128xf32, #tpu.memory_space<hbm>>) dst(%arg9 : memref<125x128xf32, #tpu.memory_space<vmem>>)
        tpu.yield
      }) : () -> ()
      "tpu.region"() ({
        %run_scoped3A = tpu.sem_alloc : memref<!tpu.dma_semaphore, #tpu.memory_space<semaphore_mem>>
        %dma_start3A = arith.constant 0 : i32
        %dma_start3A_30 = tpu.memref_slice %arg8[%scan3A_29, %dma_start3A] : memref<40x125xi32, #tpu.memory_space<vmem>> -> memref<1x125xi32, #tpu.memory_space<vmem>>
        %dma_start3A_31 = tpu.memref_squeeze %dma_start3A_30 : memref<1x125xi32, #tpu.memory_space<vmem>> -> memref<125xi32, #tpu.memory_space<vmem>>
        %dma_start3A_32 = arith.constant 0 : i32
        %dma_start3A_33 = arith.constant 0 : i32
        %dma_start3A_34 = tpu.memref_slice %arg11[%dma_start3A_32, %dma_start3A_33] : memref<10240x128xf32, #tpu.memory_space<vmem_shared>> -> memref<10240x128xf32, #tpu.memory_space<vmem_shared>>
        tpu.enqueue_indirect_dma source(%arg9 : memref<125x128xf32, #tpu.memory_space<vmem>>) target(%dma_start3A_34 : memref<10240x128xf32, #tpu.memory_space<vmem_shared>>) offsets(%dma_start3A_31 : memref<125xi32, #tpu.memory_space<vmem>>) semaphore(%run_scoped3A : memref<!tpu.dma_semaphore, #tpu.memory_space<semaphore_mem>>) {add = true}
        %dma_wait3A = arith.constant 0 : i32
        %dma_wait3A_35 = tpu.memref_slice %arg8[%scan3A_29, %dma_wait3A] : memref<40x125xi32, #tpu.memory_space<vmem>> -> memref<1x125xi32, #tpu.memory_space<vmem>>
        %dma_wait3A_36 = tpu.memref_squeeze %dma_wait3A_35 : memref<1x125xi32, #tpu.memory_space<vmem>> -> memref<125xi32, #tpu.memory_space<vmem>>
        %dma_wait3A_37 = arith.constant 0 : i32
        %dma_wait3A_38 = arith.constant 0 : i32
        %dma_wait3A_39 = tpu.memref_slice %arg11[%dma_wait3A_37, %dma_wait3A_38] : memref<10240x128xf32, #tpu.memory_space<vmem_shared>> -> memref<10240x128xf32, #tpu.memory_space<vmem_shared>>
        tpu.wait_indirect_dma semaphore(%run_scoped3A : memref<!tpu.dma_semaphore, #tpu.memory_space<semaphore_mem>>) src(%arg9 : memref<125x128xf32, #tpu.memory_space<vmem>>) dst(%dma_wait3A_39 : memref<10240x128xf32, #tpu.memory_space<vmem_shared>>)
        tpu.yield
      }) : () -> ()
    }
    %scan3A_17 = arith.constant 40 : i32
    %barrier3A_18 = arith.constant 0 : index
    tpu.barrier barrier_id(%barrier3A_18)
    %add3A_19 = arith.constant 0 : i32
    %add3A_20 = arith.addi %mul3A_2, %add3A_19 : i32
    "tpu.region"() ({
      %run_scoped3A = tpu.sem_alloc : memref<!tpu.dma_semaphore, #tpu.memory_space<semaphore_mem>>
      %dma_start3A = arith.constant 0 : i32
      %dma_start3A_29 = tpu.memref_slice %arg11[%add3A_20, %dma_start3A] : memref<10240x128xf32, #tpu.memory_space<vmem_shared>> -> memref<128x128xf32, #tpu.memory_space<vmem_shared>>
      %dma_start3A_30 = arith.constant 0 : i32
      %dma_start3A_31 = tpu.memref_slice %arg11[%add3A_20, %dma_start3A_30] : memref<10240x128xf32, #tpu.memory_space<vmem_shared>> -> memref<128x128xf32, #tpu.memory_space<vmem_shared>>
      tpu.enqueue_dma source(%dma_start3A_31 : memref<128x128xf32, #tpu.memory_space<vmem_shared>>) target(%arg10 : memref<128x128xf32, #tpu.memory_space<vmem>>) target_semaphore(%run_scoped3A : memref<!tpu.dma_semaphore, #tpu.memory_space<semaphore_mem>>)
      %dma_wait3A = arith.constant 0 : i32
      %dma_wait3A_32 = tpu.memref_slice %arg11[%add3A_20, %dma_wait3A] : memref<10240x128xf32, #tpu.memory_space<vmem_shared>> -> memref<128x128xf32, #tpu.memory_space<vmem_shared>>
      %dma_wait3A_33 = arith.constant 0 : i32
      %dma_wait3A_34 = tpu.memref_slice %arg11[%add3A_20, %dma_wait3A_33] : memref<10240x128xf32, #tpu.memory_space<vmem_shared>> -> memref<128x128xf32, #tpu.memory_space<vmem_shared>>
      tpu.wait_dma2 semaphore(%run_scoped3A : memref<!tpu.dma_semaphore, #tpu.memory_space<semaphore_mem>>) src(%dma_wait3A_34 : memref<128x128xf32, #tpu.memory_space<vmem_shared>>) dst(%arg10 : memref<128x128xf32, #tpu.memory_space<vmem>>)
      tpu.yield
    }) : () -> ()
    "tpu.region"() ({
      %run_scoped3A = tpu.sem_alloc : memref<!tpu.dma_semaphore, #tpu.memory_space<semaphore_mem>>
      %dma_start3A = arith.constant 0 : i32
      %dma_start3A_29 = tpu.memref_slice %arg6[%arg0, %add3A_20, %dma_start3A] : memref<2x10240x128xf32, #tpu.memory_space<hbm>> -> memref<1x128x128xf32, #tpu.memory_space<hbm>>
      %dma_start3A_30 = tpu.memref_squeeze %dma_start3A_29 : memref<1x128x128xf32, #tpu.memory_space<hbm>> -> memref<128x128xf32, #tpu.memory_space<hbm>>
      %dma_start3A_31 = arith.constant 0 : i32
      %dma_start3A_32 = tpu.memref_slice %arg6[%arg0, %add3A_20, %dma_start3A_31] : memref<2x10240x128xf32, #tpu.memory_space<hbm>> -> memref<1x128x128xf32, #tpu.memory_space<hbm>>
      %dma_start3A_33 = tpu.memref_squeeze %dma_start3A_32 : memref<1x128x128xf32, #tpu.memory_space<hbm>> -> memref<128x128xf32, #tpu.memory_space<hbm>>
      tpu.enqueue_dma source(%arg10 : memref<128x128xf32, #tpu.memory_space<vmem>>) target(%dma_start3A_33 : memref<128x128xf32, #tpu.memory_space<hbm>>) target_semaphore(%run_scoped3A : memref<!tpu.dma_semaphore, #tpu.memory_space<semaphore_mem>>)
      %dma_wait3A = arith.constant 0 : i32
      %dma_wait3A_34 = tpu.memref_slice %arg6[%arg0, %add3A_20, %dma_wait3A] : memref<2x10240x128xf32, #tpu.memory_space<hbm>> -> memref<1x128x128xf32, #tpu.memory_space<hbm>>
      %dma_wait3A_35 = tpu.memref_squeeze %dma_wait3A_34 : memref<1x128x128xf32, #tpu.memory_space<hbm>> -> memref<128x128xf32, #tpu.memory_space<hbm>>
      %dma_wait3A_36 = arith.constant 0 : i32
      %dma_wait3A_37 = tpu.memref_slice %arg6[%arg0, %add3A_20, %dma_wait3A_36] : memref<2x10240x128xf32, #tpu.memory_space<hbm>> -> memref<1x128x128xf32, #tpu.memory_space<hbm>>
      %dma_wait3A_38 = tpu.memref_squeeze %dma_wait3A_37 : memref<1x128x128xf32, #tpu.memory_space<hbm>> -> memref<128x128xf32, #tpu.memory_space<hbm>>
      tpu.wait_dma2 semaphore(%run_scoped3A : memref<!tpu.dma_semaphore, #tpu.memory_space<semaphore_mem>>) src(%arg10 : memref<128x128xf32, #tpu.memory_space<vmem>>) dst(%dma_wait3A_38 : memref<128x128xf32, #tpu.memory_space<hbm>>)
      tpu.yield
    }) : () -> ()
    %add3A_21 = arith.constant 128 : i32
    %add3A_22 = arith.addi %mul3A_2, %add3A_21 : i32
    "tpu.region"() ({
      %run_scoped3A = tpu.sem_alloc : memref<!tpu.dma_semaphore, #tpu.memory_space<semaphore_mem>>
      %dma_start3A = arith.constant 0 : i32
      %dma_start3A_29 = tpu.memref_slice %arg11[%add3A_22, %dma_start3A] : memref<10240x128xf32, #tpu.memory_space<vmem_shared>> -> memref<128x128xf32, #tpu.memory_space<vmem_shared>>
      %dma_start3A_30 = arith.constant 0 : i32
      %dma_start3A_31 = tpu.memref_slice %arg11[%add3A_22, %dma_start3A_30] : memref<10240x128xf32, #tpu.memory_space<vmem_shared>> -> memref<128x128xf32, #tpu.memory_space<vmem_shared>>
      tpu.enqueue_dma source(%dma_start3A_31 : memref<128x128xf32, #tpu.memory_space<vmem_shared>>) target(%arg10 : memref<128x128xf32, #tpu.memory_space<vmem>>) target_semaphore(%run_scoped3A : memref<!tpu.dma_semaphore, #tpu.memory_space<semaphore_mem>>)
      %dma_wait3A = arith.constant 0 : i32
      %dma_wait3A_32 = tpu.memref_slice %arg11[%add3A_22, %dma_wait3A] : memref<10240x128xf32, #tpu.memory_space<vmem_shared>> -> memref<128x128xf32, #tpu.memory_space<vmem_shared>>
      %dma_wait3A_33 = arith.constant 0 : i32
      %dma_wait3A_34 = tpu.memref_slice %arg11[%add3A_22, %dma_wait3A_33] : memref<10240x128xf32, #tpu.memory_space<vmem_shared>> -> memref<128x128xf32, #tpu.memory_space<vmem_shared>>
      tpu.wait_dma2 semaphore(%run_scoped3A : memref<!tpu.dma_semaphore, #tpu.memory_space<semaphore_mem>>) src(%dma_wait3A_34 : memref<128x128xf32, #tpu.memory_space<vmem_shared>>) dst(%arg10 : memref<128x128xf32, #tpu.memory_space<vmem>>)
      tpu.yield
    }) : () -> ()
    "tpu.region"() ({
      %run_scoped3A = tpu.sem_alloc : memref<!tpu.dma_semaphore, #tpu.memory_space<semaphore_mem>>
      %dma_start3A = arith.constant 0 : i32
      %dma_start3A_29 = tpu.memref_slice %arg6[%arg0, %add3A_22, %dma_start3A] : memref<2x10240x128xf32, #tpu.memory_space<hbm>> -> memref<1x128x128xf32, #tpu.memory_space<hbm>>
      %dma_start3A_30 = tpu.memref_squeeze %dma_start3A_29 : memref<1x128x128xf32, #tpu.memory_space<hbm>> -> memref<128x128xf32, #tpu.memory_space<hbm>>
      %dma_start3A_31 = arith.constant 0 : i32
      %dma_start3A_32 = tpu.memref_slice %arg6[%arg0, %add3A_22, %dma_start3A_31] : memref<2x10240x128xf32, #tpu.memory_space<hbm>> -> memref<1x128x128xf32, #tpu.memory_space<hbm>>
      %dma_start3A_33 = tpu.memref_squeeze %dma_start3A_32 : memref<1x128x128xf32, #tpu.memory_space<hbm>> -> memref<128x128xf32, #tpu.memory_space<hbm>>
      tpu.enqueue_dma source(%arg10 : memref<128x128xf32, #tpu.memory_space<vmem>>) target(%dma_start3A_33 : memref<128x128xf32, #tpu.memory_space<hbm>>) target_semaphore(%run_scoped3A : memref<!tpu.dma_semaphore, #tpu.memory_space<semaphore_mem>>)
      %dma_wait3A = arith.constant 0 : i32
      %dma_wait3A_34 = tpu.memref_slice %arg6[%arg0, %add3A_22, %dma_wait3A] : memref<2x10240x128xf32, #tpu.memory_space<hbm>> -> memref<1x128x128xf32, #tpu.memory_space<hbm>>
      %dma_wait3A_35 = tpu.memref_squeeze %dma_wait3A_34 : memref<1x128x128xf32, #tpu.memory_space<hbm>> -> memref<128x128xf32, #tpu.memory_space<hbm>>
      %dma_wait3A_36 = arith.constant 0 : i32
      %dma_wait3A_37 = tpu.memref_slice %arg6[%arg0, %add3A_22, %dma_wait3A_36] : memref<2x10240x128xf32, #tpu.memory_space<hbm>> -> memref<1x128x128xf32, #tpu.memory_space<hbm>>
      %dma_wait3A_38 = tpu.memref_squeeze %dma_wait3A_37 : memref<1x128x128xf32, #tpu.memory_space<hbm>> -> memref<128x128xf32, #tpu.memory_space<hbm>>
      tpu.wait_dma2 semaphore(%run_scoped3A : memref<!tpu.dma_semaphore, #tpu.memory_space<semaphore_mem>>) src(%arg10 : memref<128x128xf32, #tpu.memory_space<vmem>>) dst(%dma_wait3A_38 : memref<128x128xf32, #tpu.memory_space<hbm>>)
      tpu.yield
    }) : () -> ()
    %add3A_23 = arith.constant 256 : i32
    %add3A_24 = arith.addi %mul3A_2, %add3A_23 : i32
    "tpu.region"() ({
      %run_scoped3A = tpu.sem_alloc : memref<!tpu.dma_semaphore, #tpu.memory_space<semaphore_mem>>
      %dma_start3A = arith.constant 0 : i32
      %dma_start3A_29 = tpu.memref_slice %arg11[%add3A_24, %dma_start3A] : memref<10240x128xf32, #tpu.memory_space<vmem_shared>> -> memref<128x128xf32, #tpu.memory_space<vmem_shared>>
      %dma_start3A_30 = arith.constant 0 : i32
      %dma_start3A_31 = tpu.memref_slice %arg11[%add3A_24, %dma_start3A_30] : memref<10240x128xf32, #tpu.memory_space<vmem_shared>> -> memref<128x128xf32, #tpu.memory_space<vmem_shared>>
      tpu.enqueue_dma source(%dma_start3A_31 : memref<128x128xf32, #tpu.memory_space<vmem_shared>>) target(%arg10 : memref<128x128xf32, #tpu.memory_space<vmem>>) target_semaphore(%run_scoped3A : memref<!tpu.dma_semaphore, #tpu.memory_space<semaphore_mem>>)
      %dma_wait3A = arith.constant 0 : i32
      %dma_wait3A_32 = tpu.memref_slice %arg11[%add3A_24, %dma_wait3A] : memref<10240x128xf32, #tpu.memory_space<vmem_shared>> -> memref<128x128xf32, #tpu.memory_space<vmem_shared>>
      %dma_wait3A_33 = arith.constant 0 : i32
      %dma_wait3A_34 = tpu.memref_slice %arg11[%add3A_24, %dma_wait3A_33] : memref<10240x128xf32, #tpu.memory_space<vmem_shared>> -> memref<128x128xf32, #tpu.memory_space<vmem_shared>>
      tpu.wait_dma2 semaphore(%run_scoped3A : memref<!tpu.dma_semaphore, #tpu.memory_space<semaphore_mem>>) src(%dma_wait3A_34 : memref<128x128xf32, #tpu.memory_space<vmem_shared>>) dst(%arg10 : memref<128x128xf32, #tpu.memory_space<vmem>>)
      tpu.yield
    }) : () -> ()
    "tpu.region"() ({
      %run_scoped3A = tpu.sem_alloc : memref<!tpu.dma_semaphore, #tpu.memory_space<semaphore_mem>>
      %dma_start3A = arith.constant 0 : i32
      %dma_start3A_29 = tpu.memref_slice %arg6[%arg0, %add3A_24, %dma_start3A] : memref<2x10240x128xf32, #tpu.memory_space<hbm>> -> memref<1x128x128xf32, #tpu.memory_space<hbm>>
      %dma_start3A_30 = tpu.memref_squeeze %dma_start3A_29 : memref<1x128x128xf32, #tpu.memory_space<hbm>> -> memref<128x128xf32, #tpu.memory_space<hbm>>
      %dma_start3A_31 = arith.constant 0 : i32
      %dma_start3A_32 = tpu.memref_slice %arg6[%arg0, %add3A_24, %dma_start3A_31] : memref<2x10240x128xf32, #tpu.memory_space<hbm>> -> memref<1x128x128xf32, #tpu.memory_space<hbm>>
      %dma_start3A_33 = tpu.memref_squeeze %dma_start3A_32 : memref<1x128x128xf32, #tpu.memory_space<hbm>> -> memref<128x128xf32, #tpu.memory_space<hbm>>
      tpu.enqueue_dma source(%arg10 : memref<128x128xf32, #tpu.memory_space<vmem>>) target(%dma_start3A_33 : memref<128x128xf32, #tpu.memory_space<hbm>>) target_semaphore(%run_scoped3A : memref<!tpu.dma_semaphore, #tpu.memory_space<semaphore_mem>>)
      %dma_wait3A = arith.constant 0 : i32
      %dma_wait3A_34 = tpu.memref_slice %arg6[%arg0, %add3A_24, %dma_wait3A] : memref<2x10240x128xf32, #tpu.memory_space<hbm>> -> memref<1x128x128xf32, #tpu.memory_space<hbm>>
      %dma_wait3A_35 = tpu.memref_squeeze %dma_wait3A_34 : memref<1x128x128xf32, #tpu.memory_space<hbm>> -> memref<128x128xf32, #tpu.memory_space<hbm>>
      %dma_wait3A_36 = arith.constant 0 : i32
      %dma_wait3A_37 = tpu.memref_slice %arg6[%arg0, %add3A_24, %dma_wait3A_36] : memref<2x10240x128xf32, #tpu.memory_space<hbm>> -> memref<1x128x128xf32, #tpu.memory_space<hbm>>
      %dma_wait3A_38 = tpu.memref_squeeze %dma_wait3A_37 : memref<1x128x128xf32, #tpu.memory_space<hbm>> -> memref<128x128xf32, #tpu.memory_space<hbm>>
      tpu.wait_dma2 semaphore(%run_scoped3A : memref<!tpu.dma_semaphore, #tpu.memory_space<semaphore_mem>>) src(%arg10 : memref<128x128xf32, #tpu.memory_space<vmem>>) dst(%dma_wait3A_38 : memref<128x128xf32, #tpu.memory_space<hbm>>)
      tpu.yield
    }) : () -> ()
    %add3A_25 = arith.constant 384 : i32
    %add3A_26 = arith.addi %mul3A_2, %add3A_25 : i32
    "tpu.region"() ({
      %run_scoped3A = tpu.sem_alloc : memref<!tpu.dma_semaphore, #tpu.memory_space<semaphore_mem>>
      %dma_start3A = arith.constant 0 : i32
      %dma_start3A_29 = tpu.memref_slice %arg11[%add3A_26, %dma_start3A] : memref<10240x128xf32, #tpu.memory_space<vmem_shared>> -> memref<128x128xf32, #tpu.memory_space<vmem_shared>>
      %dma_start3A_30 = arith.constant 0 : i32
      %dma_start3A_31 = tpu.memref_slice %arg11[%add3A_26, %dma_start3A_30] : memref<10240x128xf32, #tpu.memory_space<vmem_shared>> -> memref<128x128xf32, #tpu.memory_space<vmem_shared>>
      tpu.enqueue_dma source(%dma_start3A_31 : memref<128x128xf32, #tpu.memory_space<vmem_shared>>) target(%arg10 : memref<128x128xf32, #tpu.memory_space<vmem>>) target_semaphore(%run_scoped3A : memref<!tpu.dma_semaphore, #tpu.memory_space<semaphore_mem>>)
      %dma_wait3A = arith.constant 0 : i32
      %dma_wait3A_32 = tpu.memref_slice %arg11[%add3A_26, %dma_wait3A] : memref<10240x128xf32, #tpu.memory_space<vmem_shared>> -> memref<128x128xf32, #tpu.memory_space<vmem_shared>>
      %dma_wait3A_33 = arith.constant 0 : i32
      %dma_wait3A_34 = tpu.memref_slice %arg11[%add3A_26, %dma_wait3A_33] : memref<10240x128xf32, #tpu.memory_space<vmem_shared>> -> memref<128x128xf32, #tpu.memory_space<vmem_shared>>
      tpu.wait_dma2 semaphore(%run_scoped3A : memref<!tpu.dma_semaphore, #tpu.memory_space<semaphore_mem>>) src(%dma_wait3A_34 : memref<128x128xf32, #tpu.memory_space<vmem_shared>>) dst(%arg10 : memref<128x128xf32, #tpu.memory_space<vmem>>)
      tpu.yield
    }) : () -> ()
    "tpu.region"() ({
      %run_scoped3A = tpu.sem_alloc : memref<!tpu.dma_semaphore, #tpu.memory_space<semaphore_mem>>
      %dma_start3A = arith.constant 0 : i32
      %dma_start3A_29 = tpu.memref_slice %arg6[%arg0, %add3A_26, %dma_start3A] : memref<2x10240x128xf32, #tpu.memory_space<hbm>> -> memref<1x128x128xf32, #tpu.memory_space<hbm>>
      %dma_start3A_30 = tpu.memref_squeeze %dma_start3A_29 : memref<1x128x128xf32, #tpu.memory_space<hbm>> -> memref<128x128xf32, #tpu.memory_space<hbm>>
      %dma_start3A_31 = arith.constant 0 : i32
      %dma_start3A_32 = tpu.memref_slice %arg6[%arg0, %add3A_26, %dma_start3A_31] : memref<2x10240x128xf32, #tpu.memory_space<hbm>> -> memref<1x128x128xf32, #tpu.memory_space<hbm>>
      %dma_start3A_33 = tpu.memref_squeeze %dma_start3A_32 : memref<1x128x128xf32, #tpu.memory_space<hbm>> -> memref<128x128xf32, #tpu.memory_space<hbm>>
      tpu.enqueue_dma source(%arg10 : memref<128x128xf32, #tpu.memory_space<vmem>>) target(%dma_start3A_33 : memref<128x128xf32, #tpu.memory_space<hbm>>) target_semaphore(%run_scoped3A : memref<!tpu.dma_semaphore, #tpu.memory_space<semaphore_mem>>)
      %dma_wait3A = arith.constant 0 : i32
      %dma_wait3A_34 = tpu.memref_slice %arg6[%arg0, %add3A_26, %dma_wait3A] : memref<2x10240x128xf32, #tpu.memory_space<hbm>> -> memref<1x128x128xf32, #tpu.memory_space<hbm>>
      %dma_wait3A_35 = tpu.memref_squeeze %dma_wait3A_34 : memref<1x128x128xf32, #tpu.memory_space<hbm>> -> memref<128x128xf32, #tpu.memory_space<hbm>>
      %dma_wait3A_36 = arith.constant 0 : i32
      %dma_wait3A_37 = tpu.memref_slice %arg6[%arg0, %add3A_26, %dma_wait3A_36] : memref<2x10240x128xf32, #tpu.memory_space<hbm>> -> memref<1x128x128xf32, #tpu.memory_space<hbm>>
      %dma_wait3A_38 = tpu.memref_squeeze %dma_wait3A_37 : memref<1x128x128xf32, #tpu.memory_space<hbm>> -> memref<128x128xf32, #tpu.memory_space<hbm>>
      tpu.wait_dma2 semaphore(%run_scoped3A : memref<!tpu.dma_semaphore, #tpu.memory_space<semaphore_mem>>) src(%arg10 : memref<128x128xf32, #tpu.memory_space<vmem>>) dst(%dma_wait3A_38 : memref<128x128xf32, #tpu.memory_space<hbm>>)
      tpu.yield
    }) : () -> ()
    %add3A_27 = arith.constant 512 : i32
    %add3A_28 = arith.addi %mul3A_2, %add3A_27 : i32
    "tpu.region"() ({
      %run_scoped3A = tpu.sem_alloc : memref<!tpu.dma_semaphore, #tpu.memory_space<semaphore_mem>>
      %dma_start3A = arith.constant 0 : i32
      %dma_start3A_29 = tpu.memref_slice %arg11[%add3A_28, %dma_start3A] : memref<10240x128xf32, #tpu.memory_space<vmem_shared>> -> memref<128x128xf32, #tpu.memory_space<vmem_shared>>
      %dma_start3A_30 = arith.constant 0 : i32
      %dma_start3A_31 = tpu.memref_slice %arg11[%add3A_28, %dma_start3A_30] : memref<10240x128xf32, #tpu.memory_space<vmem_shared>> -> memref<128x128xf32, #tpu.memory_space<vmem_shared>>
      tpu.enqueue_dma source(%dma_start3A_31 : memref<128x128xf32, #tpu.memory_space<vmem_shared>>) target(%arg10 : memref<128x128xf32, #tpu.memory_space<vmem>>) target_semaphore(%run_scoped3A : memref<!tpu.dma_semaphore, #tpu.memory_space<semaphore_mem>>)
      %dma_wait3A = arith.constant 0 : i32
      %dma_wait3A_32 = tpu.memref_slice %arg11[%add3A_28, %dma_wait3A] : memref<10240x128xf32, #tpu.memory_space<vmem_shared>> -> memref<128x128xf32, #tpu.memory_space<vmem_shared>>
      %dma_wait3A_33 = arith.constant 0 : i32
      %dma_wait3A_34 = tpu.memref_slice %arg11[%add3A_28, %dma_wait3A_33] : memref<10240x128xf32, #tpu.memory_space<vmem_shared>> -> memref<128x128xf32, #tpu.memory_space<vmem_shared>>
      tpu.wait_dma2 semaphore(%run_scoped3A : memref<!tpu.dma_semaphore, #tpu.memory_space<semaphore_mem>>) src(%dma_wait3A_34 : memref<128x128xf32, #tpu.memory_space<vmem_shared>>) dst(%arg10 : memref<128x128xf32, #tpu.memory_space<vmem>>)
      tpu.yield
    }) : () -> ()
    "tpu.region"() ({
      %run_scoped3A = tpu.sem_alloc : memref<!tpu.dma_semaphore, #tpu.memory_space<semaphore_mem>>
      %dma_start3A = arith.constant 0 : i32
      %dma_start3A_29 = tpu.memref_slice %arg6[%arg0, %add3A_28, %dma_start3A] : memref<2x10240x128xf32, #tpu.memory_space<hbm>> -> memref<1x128x128xf32, #tpu.memory_space<hbm>>
      %dma_start3A_30 = tpu.memref_squeeze %dma_start3A_29 : memref<1x128x128xf32, #tpu.memory_space<hbm>> -> memref<128x128xf32, #tpu.memory_space<hbm>>
      %dma_start3A_31 = arith.constant 0 : i32
      %dma_start3A_32 = tpu.memref_slice %arg6[%arg0, %add3A_28, %dma_start3A_31] : memref<2x10240x128xf32, #tpu.memory_space<hbm>> -> memref<1x128x128xf32, #tpu.memory_space<hbm>>
      %dma_start3A_33 = tpu.memref_squeeze %dma_start3A_32 : memref<1x128x128xf32, #tpu.memory_space<hbm>> -> memref<128x128xf32, #tpu.memory_space<hbm>>
      tpu.enqueue_dma source(%arg10 : memref<128x128xf32, #tpu.memory_space<vmem>>) target(%dma_start3A_33 : memref<128x128xf32, #tpu.memory_space<hbm>>) target_semaphore(%run_scoped3A : memref<!tpu.dma_semaphore, #tpu.memory_space<semaphore_mem>>)
      %dma_wait3A = arith.constant 0 : i32
      %dma_wait3A_34 = tpu.memref_slice %arg6[%arg0, %add3A_28, %dma_wait3A] : memref<2x10240x128xf32, #tpu.memory_space<hbm>> -> memref<1x128x128xf32, #tpu.memory_space<hbm>>
      %dma_wait3A_35 = tpu.memref_squeeze %dma_wait3A_34 : memref<1x128x128xf32, #tpu.memory_space<hbm>> -> memref<128x128xf32, #tpu.memory_space<hbm>>
      %dma_wait3A_36 = arith.constant 0 : i32
      %dma_wait3A_37 = tpu.memref_slice %arg6[%arg0, %add3A_28, %dma_wait3A_36] : memref<2x10240x128xf32, #tpu.memory_space<hbm>> -> memref<1x128x128xf32, #tpu.memory_space<hbm>>
      %dma_wait3A_38 = tpu.memref_squeeze %dma_wait3A_37 : memref<1x128x128xf32, #tpu.memory_space<hbm>> -> memref<128x128xf32, #tpu.memory_space<hbm>>
      tpu.wait_dma2 semaphore(%run_scoped3A : memref<!tpu.dma_semaphore, #tpu.memory_space<semaphore_mem>>) src(%arg10 : memref<128x128xf32, #tpu.memory_space<vmem>>) dst(%dma_wait3A_38 : memref<128x128xf32, #tpu.memory_space<hbm>>)
      tpu.yield
    }) : () -> ()
    return
  }
}

module attributes {stable_mosaic.version = 14 : i64} {
  func.func @body(%arg0: i32, %arg1: memref<2x1000x128xf32, #tpu.memory_space<vmem>>, %arg2: memref<2x1000x1xf32, #tpu.memory_space<vmem>>, %arg3: memref<1000x128xf32, #tpu.memory_space<vmem>>, %arg4: memref<128x128xf32, #tpu.memory_space<vmem>>, %arg5: memref<128x128xf32, #tpu.memory_space<vmem>>, %arg6: memref<128xf32, #tpu.memory_space<vmem>>, %arg7: memref<1000x128xf32, #tpu.memory_space<vmem>>, %arg8: memref<1000x1xf32, #tpu.memory_space<vmem>>) attributes {dimension_semantics = [#tpu.dimension_semantics<arbitrary>], iteration_bounds = array<i64: 10>, scalar_prefetch = 0 : i64, scratch_operands = 0 : i64, tpu.core_type = #tpu.core_type<tc>, window_params = [{transform_indices = @transform_0, window_bounds = array<i64: 2, 1000, 128>}, {transform_indices = @transform_1, window_bounds = array<i64: 2, 1000, 1>}, {transform_indices = @transform_2, window_bounds = array<i64: 1000, 128>}, {pipeline_mode = #tpu.pipeline_mode<synchronous>, transform_indices = @transform_3, window_bounds = array<i64: 128, 128>}, {pipeline_mode = #tpu.pipeline_mode<synchronous>, transform_indices = @transform_4, window_bounds = array<i64: 128, 128>}, {pipeline_mode = #tpu.pipeline_mode<synchronous>, transform_indices = @transform_5, window_bounds = array<i64: 128>}, {transform_indices = @transform_6, window_bounds = array<i64: 1000, 128>}, {transform_indices = @transform_7, window_bounds = array<i64: 1000, 1>}]} {
    %get3A = arith.constant 0 : index
    %get3A_0 = arith.constant 0 : index
    %get3A_1 = arith.constant 0 : index
    %get3A_2 = vector.load %arg1[%get3A, %get3A_0, %get3A_1] : memref<2x1000x128xf32, #tpu.memory_space<vmem>>, vector<1x1000x128xf32>
    %get3A_3 = vector.shape_cast %get3A_2 : vector<1x1000x128xf32> to vector<1000x128xf32>
    %get3A_4 = arith.constant 1 : index
    %get3A_5 = arith.constant 0 : index
    %get3A_6 = arith.constant 0 : index
    %get3A_7 = vector.load %arg1[%get3A_4, %get3A_5, %get3A_6] : memref<2x1000x128xf32, #tpu.memory_space<vmem>>, vector<1x1000x128xf32>
    %get3A_8 = vector.shape_cast %get3A_7 : vector<1x1000x128xf32> to vector<1000x128xf32>
    %add3A = arith.addf %get3A_3, %get3A_8 : vector<1000x128xf32>
    %get3A_9 = arith.constant 0 : index
    %get3A_10 = arith.constant 0 : index
    %get3A_11 = arith.constant 0 : index
    %get3A_12 = vector.load %arg2[%get3A_9, %get3A_10, %get3A_11] : memref<2x1000x1xf32, #tpu.memory_space<vmem>>, vector<1x1000x1xf32>
    %get3A_13 = vector.shape_cast %get3A_12 : vector<1x1000x1xf32> to vector<1000x1xf32>
    %get3A_14 = arith.constant 1 : index
    %get3A_15 = arith.constant 0 : index
    %get3A_16 = arith.constant 0 : index
    %get3A_17 = vector.load %arg2[%get3A_14, %get3A_15, %get3A_16] : memref<2x1000x1xf32, #tpu.memory_space<vmem>>, vector<1x1000x1xf32>
    %get3A_18 = vector.shape_cast %get3A_17 : vector<1x1000x1xf32> to vector<1000x1xf32>
    %add3A_19 = arith.addf %get3A_13, %get3A_18 : vector<1000x1xf32>
    %max3A = arith.constant 1.000000e+00 : f32
    %max3A_20 = vector.broadcast %max3A : f32 to vector<1000x1xf32>
    %max3A_21 = arith.maximumf %add3A_19, %max3A_20 : vector<1000x1xf32>
    %div3A = arith.constant 1.000000e+00 : f32
    %div3A_22 = vector.broadcast %div3A : f32 to vector<1000x1xf32>
    %div3A_23 = arith.divf %div3A_22, %max3A_21 : vector<1000x1xf32>
    %mul3A = vector.broadcast %div3A_23 : vector<1000x1xf32> to vector<1000x128xf32>
    %mul3A_24 = arith.mulf %add3A, %mul3A : vector<1000x128xf32>
    %get3A_25 = arith.constant 0 : index
    %get3A_26 = arith.constant 0 : index
    %get3A_27 = vector.load %arg3[%get3A_25, %get3A_26] : memref<1000x128xf32, #tpu.memory_space<vmem>>, vector<1000x128xf32>
    %get3A_28 = arith.constant 0 : index
    %get3A_29 = arith.constant 0 : index
    %get3A_30 = vector.load %arg4[%get3A_28, %get3A_29] : memref<128x128xf32, #tpu.memory_space<vmem>>, vector<128x128xf32>
    %dot_general3A = arith.constant dense<0.000000e+00> : vector<1000x128xf32>
    %dot_general3A_31 = tpu.matmul %get3A_27, %get3A_30, %dot_general3A {dimension_numbers = #tpu.dot_dimension_numbers<[1], [0], [0], [1], [0, 0, 1, 1], [], []>, transpose_lhs_hint = false} : vector<1000x128xf32>, vector<128x128xf32>, vector<1000x128xf32> -> vector<1000x128xf32>
    %get3A_32 = arith.constant 0 : index
    %get3A_33 = arith.constant 0 : index
    %get3A_34 = vector.load %arg5[%get3A_32, %get3A_33] : memref<128x128xf32, #tpu.memory_space<vmem>>, vector<128x128xf32>
    %dot_general3A_35 = arith.constant dense<0.000000e+00> : vector<1000x128xf32>
    %dot_general3A_36 = tpu.matmul %mul3A_24, %get3A_34, %dot_general3A_35 {dimension_numbers = #tpu.dot_dimension_numbers<[1], [0], [0], [1], [0, 0, 1, 1], [], []>, transpose_lhs_hint = false} : vector<1000x128xf32>, vector<128x128xf32>, vector<1000x128xf32> -> vector<1000x128xf32>
    %add3A_37 = arith.addf %dot_general3A_31, %dot_general3A_36 : vector<1000x128xf32>
    %get3A_38 = arith.constant 0 : index
    %get3A_39 = vector.load %arg6[%get3A_38] : memref<128xf32, #tpu.memory_space<vmem>>, vector<128xf32>
    %broadcast_in_dim3A = vector.shape_cast %get3A_39 : vector<128xf32> to vector<1x128xf32>
    %add3A_40 = vector.broadcast %broadcast_in_dim3A : vector<1x128xf32> to vector<1000x128xf32>
    %add3A_41 = arith.addf %add3A_37, %add3A_40 : vector<1000x128xf32>
    %max3A_42 = arith.constant 0.000000e+00 : f32
    %max3A_43 = vector.broadcast %max3A_42 : f32 to vector<1000x128xf32>
    %max3A_44 = arith.maximumf %add3A_41, %max3A_43 : vector<1000x128xf32>
    %swap3A = arith.constant 0 : index
    %swap3A_45 = arith.constant 0 : index
    %swap3A_46 = vector.load %arg7[%swap3A, %swap3A_45] : memref<1000x128xf32, #tpu.memory_space<vmem>>, vector<1000x128xf32>
    tpu.vector_store %arg7[%swap3A, %swap3A_45], %max3A_44 {strides = array<i32>} : memref<1000x128xf32, #tpu.memory_space<vmem>>, vector<1000x128xf32>,
    %swap3A_47 = arith.constant 0 : index
    %swap3A_48 = arith.constant 0 : index
    %swap3A_49 = vector.load %arg8[%swap3A_47, %swap3A_48] : memref<1000x1xf32, #tpu.memory_space<vmem>>, vector<1000x1xf32>
    tpu.vector_store %arg8[%swap3A_47, %swap3A_48], %div3A_23 {strides = array<i32>} : memref<1000x1xf32, #tpu.memory_space<vmem>>, vector<1000x1xf32>,
    return
  }
  func.func @transform_0(%arg0: i32) -> (i32, i32, i32) {
    %c0_i32 = arith.constant 0 : i32
    %c0_i32_0 = arith.constant 0 : i32
    %c0_i32_1 = arith.constant 0 : i32
    return %c0_i32, %arg0, %c0_i32_0 : i32, i32, i32
  }
  func.func @transform_1(%arg0: i32) -> (i32, i32, i32) {
    %c0_i32 = arith.constant 0 : i32
    %c0_i32_0 = arith.constant 0 : i32
    %c0_i32_1 = arith.constant 0 : i32
    return %c0_i32, %arg0, %c0_i32_0 : i32, i32, i32
  }
  func.func @transform_2(%arg0: i32) -> (i32, i32) {
    %c0_i32 = arith.constant 0 : i32
    %c0_i32_0 = arith.constant 0 : i32
    return %arg0, %c0_i32 : i32, i32
  }
  func.func @transform_3(%arg0: i32) -> (i32, i32) {
    %c0_i32 = arith.constant 0 : i32
    %c0_i32_0 = arith.constant 0 : i32
    %c0_i32_1 = arith.constant 0 : i32
    return %c0_i32, %c0_i32_0 : i32, i32
  }
  func.func @transform_4(%arg0: i32) -> (i32, i32) {
    %c0_i32 = arith.constant 0 : i32
    %c0_i32_0 = arith.constant 0 : i32
    %c0_i32_1 = arith.constant 0 : i32
    return %c0_i32, %c0_i32_0 : i32, i32
  }
  func.func @transform_5(%arg0: i32) -> i32 {
    %c0_i32 = arith.constant 0 : i32
    %c0_i32_0 = arith.constant 0 : i32
    return %c0_i32 : i32
  }
  func.func @transform_6(%arg0: i32) -> (i32, i32) {
    %c0_i32 = arith.constant 0 : i32
    %c0_i32_0 = arith.constant 0 : i32
    return %arg0, %c0_i32 : i32, i32
  }
  func.func @transform_7(%arg0: i32) -> (i32, i32) {
    %c0_i32 = arith.constant 0 : i32
    %c0_i32_0 = arith.constant 0 : i32
    return %arg0, %c0_i32 : i32, i32
  }
}

module attributes {stable_mosaic.version = 14 : i64} {
  func.func @body(%arg0: i32, %arg1: memref<2x1000x128xf32, #tpu.memory_space<vmem>>, %arg2: memref<1000x128xf32, #tpu.memory_space<vmem>>, %arg3: memref<1000x1xf32, #tpu.memory_space<vmem>>, %arg4: memref<128x128xf32, #tpu.memory_space<vmem>>, %arg5: memref<128x128xf32, #tpu.memory_space<vmem>>, %arg6: memref<128xf32, #tpu.memory_space<vmem>>, %arg7: memref<128x128xf32, #tpu.memory_space<vmem>>, %arg8: memref<128xf32, #tpu.memory_space<vmem>>, %arg9: memref<261x128xf32, #tpu.memory_space<vmem>>, %arg10: memref<128xf32, #tpu.memory_space<vmem>>, %arg11: memref<261x128xf32, #tpu.memory_space<vmem>>, %arg12: memref<1000x256xf32, #tpu.memory_space<vmem>>, %arg13: memref<1000x256xf32, #tpu.memory_space<vmem>>) attributes {dimension_semantics = [#tpu.dimension_semantics<arbitrary>], iteration_bounds = array<i64: 10>, scalar_prefetch = 0 : i64, scratch_operands = 0 : i64, tpu.core_type = #tpu.core_type<tc>, window_params = [{transform_indices = @transform_0, window_bounds = array<i64: 2, 1000, 128>}, {transform_indices = @transform_1, window_bounds = array<i64: 1000, 128>}, {transform_indices = @transform_2, window_bounds = array<i64: 1000, 1>}, {pipeline_mode = #tpu.pipeline_mode<synchronous>, transform_indices = @transform_3, window_bounds = array<i64: 128, 128>}, {pipeline_mode = #tpu.pipeline_mode<synchronous>, transform_indices = @transform_4, window_bounds = array<i64: 128, 128>}, {pipeline_mode = #tpu.pipeline_mode<synchronous>, transform_indices = @transform_5, window_bounds = array<i64: 128>}, {pipeline_mode = #tpu.pipeline_mode<synchronous>, transform_indices = @transform_6, window_bounds = array<i64: 128, 128>}, {pipeline_mode = #tpu.pipeline_mode<synchronous>, transform_indices = @transform_7, window_bounds = array<i64: 128>}, {pipeline_mode = #tpu.pipeline_mode<synchronous>, transform_indices = @transform_8, window_bounds = array<i64: 261, 128>}, {pipeline_mode = #tpu.pipeline_mode<synchronous>, transform_indices = @transform_9, window_bounds = array<i64: 128>}, {pipeline_mode = #tpu.pipeline_mode<synchronous>, transform_indices = @transform_10, window_bounds = array<i64: 261, 128>}, {transform_indices = @transform_11, window_bounds = array<i64: 1000, 256>}, {transform_indices = @transform_12, window_bounds = array<i64: 1000, 256>}]} {
    %get3A = arith.constant 0 : index
    %get3A_0 = arith.constant 0 : index
    %get3A_1 = arith.constant 0 : index
    %get3A_2 = vector.load %arg1[%get3A, %get3A_0, %get3A_1] : memref<2x1000x128xf32, #tpu.memory_space<vmem>>, vector<1x1000x128xf32>
    %get3A_3 = vector.shape_cast %get3A_2 : vector<1x1000x128xf32> to vector<1000x128xf32>
    %get3A_4 = arith.constant 1 : index
    %get3A_5 = arith.constant 0 : index
    %get3A_6 = arith.constant 0 : index
    %get3A_7 = vector.load %arg1[%get3A_4, %get3A_5, %get3A_6] : memref<2x1000x128xf32, #tpu.memory_space<vmem>>, vector<1x1000x128xf32>
    %get3A_8 = vector.shape_cast %get3A_7 : vector<1x1000x128xf32> to vector<1000x128xf32>
    %add3A = arith.addf %get3A_3, %get3A_8 : vector<1000x128xf32>
    %get3A_9 = arith.constant 0 : index
    %get3A_10 = arith.constant 0 : index
    %get3A_11 = vector.load %arg3[%get3A_9, %get3A_10] : memref<1000x1xf32, #tpu.memory_space<vmem>>, vector<1000x1xf32>
    %mul3A = vector.broadcast %get3A_11 : vector<1000x1xf32> to vector<1000x128xf32>
    %mul3A_12 = arith.mulf %add3A, %mul3A : vector<1000x128xf32>
    %get3A_13 = arith.constant 0 : index
    %get3A_14 = arith.constant 0 : index
    %get3A_15 = vector.load %arg2[%get3A_13, %get3A_14] : memref<1000x128xf32, #tpu.memory_space<vmem>>, vector<1000x128xf32>
    %get3A_16 = arith.constant 0 : index
    %get3A_17 = arith.constant 0 : index
    %get3A_18 = vector.load %arg4[%get3A_16, %get3A_17] : memref<128x128xf32, #tpu.memory_space<vmem>>, vector<128x128xf32>
    %dot_general3A = arith.constant dense<0.000000e+00> : vector<1000x128xf32>
    %dot_general3A_19 = tpu.matmul %get3A_15, %get3A_18, %dot_general3A {dimension_numbers = #tpu.dot_dimension_numbers<[1], [0], [0], [1], [0, 0, 1, 1], [], []>, transpose_lhs_hint = false} : vector<1000x128xf32>, vector<128x128xf32>, vector<1000x128xf32> -> vector<1000x128xf32>
    %get3A_20 = arith.constant 0 : index
    %get3A_21 = arith.constant 0 : index
    %get3A_22 = vector.load %arg5[%get3A_20, %get3A_21] : memref<128x128xf32, #tpu.memory_space<vmem>>, vector<128x128xf32>
    %dot_general3A_23 = arith.constant dense<0.000000e+00> : vector<1000x128xf32>
    %dot_general3A_24 = tpu.matmul %mul3A_12, %get3A_22, %dot_general3A_23 {dimension_numbers = #tpu.dot_dimension_numbers<[1], [0], [0], [1], [0, 0, 1, 1], [], []>, transpose_lhs_hint = false} : vector<1000x128xf32>, vector<128x128xf32>, vector<1000x128xf32> -> vector<1000x128xf32>
    %add3A_25 = arith.addf %dot_general3A_19, %dot_general3A_24 : vector<1000x128xf32>
    %get3A_26 = arith.constant 0 : index
    %get3A_27 = vector.load %arg6[%get3A_26] : memref<128xf32, #tpu.memory_space<vmem>>, vector<128xf32>
    %broadcast_in_dim3A = vector.shape_cast %get3A_27 : vector<128xf32> to vector<1x128xf32>
    %add3A_28 = vector.broadcast %broadcast_in_dim3A : vector<1x128xf32> to vector<1000x128xf32>
    %add3A_29 = arith.addf %add3A_25, %add3A_28 : vector<1000x128xf32>
    %max3A = arith.constant 0.000000e+00 : f32
    %max3A_30 = vector.broadcast %max3A : f32 to vector<1000x128xf32>
    %max3A_31 = arith.maximumf %add3A_29, %max3A_30 : vector<1000x128xf32>
    %get3A_32 = arith.constant 0 : index
    %get3A_33 = arith.constant 0 : index
    %get3A_34 = vector.load %arg7[%get3A_32, %get3A_33] : memref<128x128xf32, #tpu.memory_space<vmem>>, vector<128x128xf32>
    %dot_general3A_35 = arith.constant dense<0.000000e+00> : vector<1000x128xf32>
    %dot_general3A_36 = tpu.matmul %max3A_31, %get3A_34, %dot_general3A_35 {dimension_numbers = #tpu.dot_dimension_numbers<[1], [0], [0], [1], [0, 0, 1, 1], [], []>, transpose_lhs_hint = false} : vector<1000x128xf32>, vector<128x128xf32>, vector<1000x128xf32> -> vector<1000x128xf32>
    %get3A_37 = arith.constant 0 : index
    %get3A_38 = vector.load %arg8[%get3A_37] : memref<128xf32, #tpu.memory_space<vmem>>, vector<128xf32>
    %broadcast_in_dim3A_39 = vector.shape_cast %get3A_38 : vector<128xf32> to vector<1x128xf32>
    %add3A_40 = vector.broadcast %broadcast_in_dim3A_39 : vector<1x128xf32> to vector<1000x128xf32>
    %add3A_41 = arith.addf %dot_general3A_36, %add3A_40 : vector<1000x128xf32>
    %max3A_42 = arith.constant 0.000000e+00 : f32
    %max3A_43 = vector.broadcast %max3A_42 : f32 to vector<1000x128xf32>
    %max3A_44 = arith.maximumf %add3A_41, %max3A_43 : vector<1000x128xf32>
    %get3A_45 = arith.constant 0 : index
    %get3A_46 = arith.constant 0 : index
    %get3A_47 = vector.load %arg9[%get3A_45, %get3A_46] : memref<261x128xf32, #tpu.memory_space<vmem>>, vector<261x128xf32>
    %get3A_48 = arith.constant 0 : index
    %get3A_49 = arith.constant 0 : index
    %get3A_50 = vector.load %arg11[%get3A_48, %get3A_49] : memref<261x128xf32, #tpu.memory_space<vmem>>, vector<261x128xf32>
    %slice3A = vector.extract_strided_slice %get3A_47 {offsets = [0, 0], sizes = [128, 128], strides = [1, 1]} : vector<261x128xf32> to vector<128x128xf32>
    %dot_general3A_51 = arith.constant dense<0.000000e+00> : vector<1000x128xf32>
    %dot_general3A_52 = tpu.matmul %max3A_44, %slice3A, %dot_general3A_51 {dimension_numbers = #tpu.dot_dimension_numbers<[1], [0], [0], [1], [0, 0, 1, 1], [], []>, transpose_lhs_hint = false} : vector<1000x128xf32>, vector<128x128xf32>, vector<1000x128xf32> -> vector<1000x128xf32>
    %get3A_53 = arith.constant 0 : index
    %get3A_54 = vector.load %arg10[%get3A_53] : memref<128xf32, #tpu.memory_space<vmem>>, vector<128xf32>
    %broadcast_in_dim3A_55 = vector.shape_cast %get3A_54 : vector<128xf32> to vector<1x128xf32>
    %add3A_56 = vector.broadcast %broadcast_in_dim3A_55 : vector<1x128xf32> to vector<1000x128xf32>
    %add3A_57 = arith.addf %dot_general3A_52, %add3A_56 : vector<1000x128xf32>
    %slice3A_58 = vector.extract_strided_slice %get3A_50 {offsets = [0, 0], sizes = [128, 128], strides = [1, 1]} : vector<261x128xf32> to vector<128x128xf32>
    %dot_general3A_59 = arith.constant dense<0.000000e+00> : vector<1000x128xf32>
    %dot_general3A_60 = tpu.matmul %max3A_44, %slice3A_58, %dot_general3A_59 {dimension_numbers = #tpu.dot_dimension_numbers<[1], [0], [0], [1], [0, 0, 1, 1], [], []>, transpose_lhs_hint = false} : vector<1000x128xf32>, vector<128x128xf32>, vector<1000x128xf32> -> vector<1000x128xf32>
    %slice3A_61 = vector.extract_strided_slice %get3A_47 {offsets = [128, 0], sizes = [128, 128], strides = [1, 1]} : vector<261x128xf32> to vector<128x128xf32>
    %dot_general3A_62 = arith.constant dense<0.000000e+00> : vector<1000x128xf32>
    %dot_general3A_63 = tpu.matmul %max3A_44, %slice3A_61, %dot_general3A_62 {dimension_numbers = #tpu.dot_dimension_numbers<[1], [0], [0], [1], [0, 0, 1, 1], [], []>, transpose_lhs_hint = false} : vector<1000x128xf32>, vector<128x128xf32>, vector<1000x128xf32> -> vector<1000x128xf32>
    %slice3A_64 = vector.extract_strided_slice %get3A_50 {offsets = [128, 0], sizes = [128, 128], strides = [1, 1]} : vector<261x128xf32> to vector<128x128xf32>
    %dot_general3A_65 = arith.constant dense<0.000000e+00> : vector<1000x128xf32>
    %dot_general3A_66 = tpu.matmul %max3A_44, %slice3A_64, %dot_general3A_65 {dimension_numbers = #tpu.dot_dimension_numbers<[1], [0], [0], [1], [0, 0, 1, 1], [], []>, transpose_lhs_hint = false} : vector<1000x128xf32>, vector<128x128xf32>, vector<1000x128xf32> -> vector<1000x128xf32>
    %concatenate3A = tpu.concatenate %add3A_57, %dot_general3A_60 in 1 : vector<1000x128xf32>, vector<1000x128xf32> -> vector<1000x256xf32>
    %swap3A = arith.constant 0 : index
    %swap3A_67 = arith.constant 0 : index
    %swap3A_68 = vector.load %arg12[%swap3A, %swap3A_67] : memref<1000x256xf32, #tpu.memory_space<vmem>>, vector<1000x256xf32>
    tpu.vector_store %arg12[%swap3A, %swap3A_67], %concatenate3A {strides = array<i32>} : memref<1000x256xf32, #tpu.memory_space<vmem>>, vector<1000x256xf32>,
    %concatenate3A_69 = tpu.concatenate %dot_general3A_63, %dot_general3A_66 in 1 : vector<1000x128xf32>, vector<1000x128xf32> -> vector<1000x256xf32>
    %swap3A_70 = arith.constant 0 : index
    %swap3A_71 = arith.constant 0 : index
    %swap3A_72 = vector.load %arg13[%swap3A_70, %swap3A_71] : memref<1000x256xf32, #tpu.memory_space<vmem>>, vector<1000x256xf32>
    tpu.vector_store %arg13[%swap3A_70, %swap3A_71], %concatenate3A_69 {strides = array<i32>} : memref<1000x256xf32, #tpu.memory_space<vmem>>, vector<1000x256xf32>,
    return
  }
  func.func @transform_0(%arg0: i32) -> (i32, i32, i32) {
    %c0_i32 = arith.constant 0 : i32
    %c0_i32_0 = arith.constant 0 : i32
    %c0_i32_1 = arith.constant 0 : i32
    return %c0_i32, %arg0, %c0_i32_0 : i32, i32, i32
  }
  func.func @transform_1(%arg0: i32) -> (i32, i32) {
    %c0_i32 = arith.constant 0 : i32
    %c0_i32_0 = arith.constant 0 : i32
    return %arg0, %c0_i32 : i32, i32
  }
  func.func @transform_2(%arg0: i32) -> (i32, i32) {
    %c0_i32 = arith.constant 0 : i32
    %c0_i32_0 = arith.constant 0 : i32
    return %arg0, %c0_i32 : i32, i32
  }
  func.func @transform_3(%arg0: i32) -> (i32, i32) {
    %c0_i32 = arith.constant 0 : i32
    %c0_i32_0 = arith.constant 0 : i32
    %c0_i32_1 = arith.constant 0 : i32
    return %c0_i32, %c0_i32_0 : i32, i32
  }
  func.func @transform_4(%arg0: i32) -> (i32, i32) {
    %c0_i32 = arith.constant 0 : i32
    %c0_i32_0 = arith.constant 0 : i32
    %c0_i32_1 = arith.constant 0 : i32
    return %c0_i32, %c0_i32_0 : i32, i32
  }
  func.func @transform_5(%arg0: i32) -> i32 {
    %c0_i32 = arith.constant 0 : i32
    %c0_i32_0 = arith.constant 0 : i32
    return %c0_i32 : i32
  }
  func.func @transform_6(%arg0: i32) -> (i32, i32) {
    %c0_i32 = arith.constant 0 : i32
    %c0_i32_0 = arith.constant 0 : i32
    %c0_i32_1 = arith.constant 0 : i32
    return %c0_i32, %c0_i32_0 : i32, i32
  }
  func.func @transform_7(%arg0: i32) -> i32 {
    %c0_i32 = arith.constant 0 : i32
    %c0_i32_0 = arith.constant 0 : i32
    return %c0_i32 : i32
  }
  func.func @transform_8(%arg0: i32) -> (i32, i32) {
    %c0_i32 = arith.constant 0 : i32
    %c0_i32_0 = arith.constant 0 : i32
    %c0_i32_1 = arith.constant 0 : i32
    return %c0_i32, %c0_i32_0 : i32, i32
  }
  func.func @transform_9(%arg0: i32) -> i32 {
    %c0_i32 = arith.constant 0 : i32
    %c0_i32_0 = arith.constant 0 : i32
    return %c0_i32 : i32
  }
  func.func @transform_10(%arg0: i32) -> (i32, i32) {
    %c0_i32 = arith.constant 0 : i32
    %c0_i32_0 = arith.constant 0 : i32
    %c0_i32_1 = arith.constant 0 : i32
    return %c0_i32, %c0_i32_0 : i32, i32
  }
  func.func @transform_11(%arg0: i32) -> (i32, i32) {
    %c0_i32 = arith.constant 0 : i32
    %c0_i32_0 = arith.constant 0 : i32
    return %arg0, %c0_i32 : i32, i32
  }
  func.func @transform_12(%arg0: i32) -> (i32, i32) {
    %c0_i32 = arith.constant 0 : i32
    %c0_i32_0 = arith.constant 0 : i32
    return %arg0, %c0_i32 : i32, i32
  }
}

module attributes {stable_mosaic.version = 14 : i64} {
  func.func @body(%arg0: i32, %arg1: memref<2000x256xf32, #tpu.memory_space<vmem>>, %arg2: memref<2000x256xf32, #tpu.memory_space<vmem>>, %arg3: memref<2000x5xf32, #tpu.memory_space<vmem>>, %arg4: memref<261x128xf32, #tpu.memory_space<vmem>>, %arg5: memref<128x1xf32, #tpu.memory_space<vmem>>, %arg6: memref<1xf32, #tpu.memory_space<vmem>>, %arg7: memref<261x128xf32, #tpu.memory_space<vmem>>, %arg8: memref<128xf32, #tpu.memory_space<vmem>>, %arg9: memref<128x1xf32, #tpu.memory_space<vmem>>, %arg10: memref<1xf32, #tpu.memory_space<vmem>>, %arg11: memref<2000x1xf32, #tpu.memory_space<vmem>>) attributes {dimension_semantics = [#tpu.dimension_semantics<arbitrary>], iteration_bounds = array<i64: 80>, scalar_prefetch = 0 : i64, scratch_operands = 0 : i64, tpu.core_type = #tpu.core_type<tc>, window_params = [{transform_indices = @transform_0, window_bounds = array<i64: 2000, 256>}, {transform_indices = @transform_1, window_bounds = array<i64: 2000, 256>}, {transform_indices = @transform_2, window_bounds = array<i64: 2000, 5>}, {pipeline_mode = #tpu.pipeline_mode<synchronous>, transform_indices = @transform_3, window_bounds = array<i64: 261, 128>}, {pipeline_mode = #tpu.pipeline_mode<synchronous>, transform_indices = @transform_4, window_bounds = array<i64: 128, 1>}, {pipeline_mode = #tpu.pipeline_mode<synchronous>, transform_indices = @transform_5, window_bounds = array<i64: 1>}, {pipeline_mode = #tpu.pipeline_mode<synchronous>, transform_indices = @transform_6, window_bounds = array<i64: 261, 128>}, {pipeline_mode = #tpu.pipeline_mode<synchronous>, transform_indices = @transform_7, window_bounds = array<i64: 128>}, {pipeline_mode = #tpu.pipeline_mode<synchronous>, transform_indices = @transform_8, window_bounds = array<i64: 128, 1>}, {pipeline_mode = #tpu.pipeline_mode<synchronous>, transform_indices = @transform_9, window_bounds = array<i64: 1>}, {transform_indices = @transform_10, window_bounds = array<i64: 2000, 1>}]} {
    %get3A = arith.constant 0 : index
    %get3A_0 = arith.constant 0 : index
    %get3A_1 = vector.load %arg1[%get3A, %get3A_0] : memref<2000x256xf32, #tpu.memory_space<vmem>>, vector<2000x256xf32>
    %get3A_2 = arith.constant 0 : index
    %get3A_3 = arith.constant 0 : index
    %get3A_4 = vector.load %arg2[%get3A_2, %get3A_3] : memref<2000x256xf32, #tpu.memory_space<vmem>>, vector<2000x256xf32>
    %get3A_5 = arith.constant 0 : index
    %get3A_6 = arith.constant 0 : index
    %get3A_7 = vector.load %arg3[%get3A_5, %get3A_6] : memref<2000x5xf32, #tpu.memory_space<vmem>>, vector<2000x5xf32>
    %get3A_8 = arith.constant 0 : index
    %get3A_9 = arith.constant 0 : index
    %get3A_10 = vector.load %arg4[%get3A_8, %get3A_9] : memref<261x128xf32, #tpu.memory_space<vmem>>, vector<261x128xf32>
    %slice3A = vector.extract_strided_slice %get3A_10 {offsets = [256, 0], sizes = [5, 128], strides = [1, 1]} : vector<261x128xf32> to vector<5x128xf32>
    %get3A_11 = arith.constant 0 : index
    %get3A_12 = arith.constant 0 : index
    %get3A_13 = vector.load %arg7[%get3A_11, %get3A_12] : memref<261x128xf32, #tpu.memory_space<vmem>>, vector<261x128xf32>
    %slice3A_14 = vector.extract_strided_slice %get3A_13 {offsets = [256, 0], sizes = [5, 128], strides = [1, 1]} : vector<261x128xf32> to vector<5x128xf32>
    %slice3A_15 = vector.extract_strided_slice %get3A_1 {offsets = [0, 0], sizes = [2000, 128], strides = [1, 1]} : vector<2000x256xf32> to vector<2000x128xf32>
    %slice3A_16 = vector.extract_strided_slice %get3A_4 {offsets = [0, 0], sizes = [2000, 128], strides = [1, 1]} : vector<2000x256xf32> to vector<2000x128xf32>
    %add3A = arith.addf %slice3A_15, %slice3A_16 : vector<2000x128xf32>
    %dot_general3A = arith.constant dense<0.000000e+00> : vector<2000x128xf32>
    %dot_general3A_17 = tpu.matmul %get3A_7, %slice3A, %dot_general3A {dimension_numbers = #tpu.dot_dimension_numbers<[1], [0], [0], [1], [0, 0, 1, 1], [], []>, transpose_lhs_hint = false} : vector<2000x5xf32>, vector<5x128xf32>, vector<2000x128xf32> -> vector<2000x128xf32>
    %add3A_18 = arith.addf %add3A, %dot_general3A_17 : vector<2000x128xf32>
    %tanh3A = math.tanh %add3A_18 : vector<2000x128xf32>
    %get3A_19 = arith.constant 0 : index
    %get3A_20 = arith.constant 0 : index
    %get3A_21 = vector.load %arg5[%get3A_19, %get3A_20] : memref<128x1xf32, #tpu.memory_space<vmem>>, vector<128x1xf32>
    %dot_general3A_22 = arith.constant dense<0.000000e+00> : vector<2000x1xf32>
    %dot_general3A_23 = tpu.matmul %tanh3A, %get3A_21, %dot_general3A_22 {dimension_numbers = #tpu.dot_dimension_numbers<[1], [0], [0], [1], [0, 0, 1, 1], [], []>, transpose_lhs_hint = false} : vector<2000x128xf32>, vector<128x1xf32>, vector<2000x1xf32> -> vector<2000x1xf32>
    %get3A_24 = arith.constant 0 : index
    %get3A_25 = vector.load %arg6[%get3A_24] : memref<1xf32, #tpu.memory_space<vmem>>, vector<1xf32>
    %broadcast_in_dim3A = vector.shape_cast %get3A_25 : vector<1xf32> to vector<1x1xf32>
    %add3A_26 = vector.broadcast %broadcast_in_dim3A : vector<1x1xf32> to vector<2000x1xf32>
    %add3A_27 = arith.addf %dot_general3A_23, %add3A_26 : vector<2000x1xf32>
    %logistic3A = arith.negf %add3A_27 : vector<2000x1xf32>
    %logistic3A_28 = math.exp %logistic3A : vector<2000x1xf32>
    %logistic3A_29 = arith.constant 1.000000e+00 : f32
    %logistic3A_30 = vector.broadcast %logistic3A_29 : f32 to vector<2000x1xf32>
    %logistic3A_31 = arith.addf %logistic3A_30, %logistic3A_28 : vector<2000x1xf32>
    %logistic3A_32 = arith.divf %logistic3A_30, %logistic3A_31 : vector<2000x1xf32>
    %slice3A_33 = vector.extract_strided_slice %get3A_1 {offsets = [0, 128], sizes = [2000, 128], strides = [1, 1]} : vector<2000x256xf32> to vector<2000x128xf32>
    %slice3A_34 = vector.extract_strided_slice %get3A_4 {offsets = [0, 128], sizes = [2000, 128], strides = [1, 1]} : vector<2000x256xf32> to vector<2000x128xf32>
    %add3A_35 = arith.addf %slice3A_33, %slice3A_34 : vector<2000x128xf32>
    %dot_general3A_36 = arith.constant dense<0.000000e+00> : vector<2000x128xf32>
    %dot_general3A_37 = tpu.matmul %get3A_7, %slice3A_14, %dot_general3A_36 {dimension_numbers = #tpu.dot_dimension_numbers<[1], [0], [0], [1], [0, 0, 1, 1], [], []>, transpose_lhs_hint = false} : vector<2000x5xf32>, vector<5x128xf32>, vector<2000x128xf32> -> vector<2000x128xf32>
    %add3A_38 = arith.addf %add3A_35, %dot_general3A_37 : vector<2000x128xf32>
    %mul3A = vector.broadcast %logistic3A_32 : vector<2000x1xf32> to vector<2000x128xf32>
    %mul3A_39 = arith.mulf %add3A_38, %mul3A : vector<2000x128xf32>
    %get3A_40 = arith.constant 0 : index
    %get3A_41 = vector.load %arg8[%get3A_40] : memref<128xf32, #tpu.memory_space<vmem>>, vector<128xf32>
    %broadcast_in_dim3A_42 = vector.shape_cast %get3A_41 : vector<128xf32> to vector<1x128xf32>
    %add3A_43 = vector.broadcast %broadcast_in_dim3A_42 : vector<1x128xf32> to vector<2000x128xf32>
    %add3A_44 = arith.addf %mul3A_39, %add3A_43 : vector<2000x128xf32>
    %max3A = arith.constant 0.000000e+00 : f32
    %max3A_45 = vector.broadcast %max3A : f32 to vector<2000x128xf32>
    %max3A_46 = arith.maximumf %add3A_44, %max3A_45 : vector<2000x128xf32>
    %get3A_47 = arith.constant 0 : index
    %get3A_48 = arith.constant 0 : index
    %get3A_49 = vector.load %arg9[%get3A_47, %get3A_48] : memref<128x1xf32, #tpu.memory_space<vmem>>, vector<128x1xf32>
    %dot_general3A_50 = arith.constant dense<0.000000e+00> : vector<2000x1xf32>
    %dot_general3A_51 = tpu.matmul %max3A_46, %get3A_49, %dot_general3A_50 {dimension_numbers = #tpu.dot_dimension_numbers<[1], [0], [0], [1], [0, 0, 1, 1], [], []>, transpose_lhs_hint = false} : vector<2000x128xf32>, vector<128x1xf32>, vector<2000x1xf32> -> vector<2000x1xf32>
    %get3A_52 = arith.constant 0 : index
    %get3A_53 = vector.load %arg10[%get3A_52] : memref<1xf32, #tpu.memory_space<vmem>>, vector<1xf32>
    %broadcast_in_dim3A_54 = vector.shape_cast %get3A_53 : vector<1xf32> to vector<1x1xf32>
    %add3A_55 = vector.broadcast %broadcast_in_dim3A_54 : vector<1x1xf32> to vector<2000x1xf32>
    %add3A_56 = arith.addf %dot_general3A_51, %add3A_55 : vector<2000x1xf32>
    %swap3A = arith.constant 0 : index
    %swap3A_57 = arith.constant 0 : index
    %swap3A_58 = vector.load %arg11[%swap3A, %swap3A_57] : memref<2000x1xf32, #tpu.memory_space<vmem>>, vector<2000x1xf32>
    tpu.vector_store %arg11[%swap3A, %swap3A_57], %add3A_56 {strides = array<i32>} : memref<2000x1xf32, #tpu.memory_space<vmem>>, vector<2000x1xf32>,
    return
  }
  func.func @transform_0(%arg0: i32) -> (i32, i32) {
    %c0_i32 = arith.constant 0 : i32
    %c0_i32_0 = arith.constant 0 : i32
    return %arg0, %c0_i32 : i32, i32
  }
  func.func @transform_1(%arg0: i32) -> (i32, i32) {
    %c0_i32 = arith.constant 0 : i32
    %c0_i32_0 = arith.constant 0 : i32
    return %arg0, %c0_i32 : i32, i32
  }
  func.func @transform_2(%arg0: i32) -> (i32, i32) {
    %c0_i32 = arith.constant 0 : i32
    %c0_i32_0 = arith.constant 0 : i32
    return %arg0, %c0_i32 : i32, i32
  }
  func.func @transform_3(%arg0: i32) -> (i32, i32) {
    %c0_i32 = arith.constant 0 : i32
    %c0_i32_0 = arith.constant 0 : i32
    %c0_i32_1 = arith.constant 0 : i32
    return %c0_i32, %c0_i32_0 : i32, i32
  }
  func.func @transform_4(%arg0: i32) -> (i32, i32) {
    %c0_i32 = arith.constant 0 : i32
    %c0_i32_0 = arith.constant 0 : i32
    %c0_i32_1 = arith.constant 0 : i32
    return %c0_i32, %c0_i32_0 : i32, i32
  }
  func.func @transform_5(%arg0: i32) -> i32 {
    %c0_i32 = arith.constant 0 : i32
    %c0_i32_0 = arith.constant 0 : i32
    return %c0_i32 : i32
  }
  func.func @transform_6(%arg0: i32) -> (i32, i32) {
    %c0_i32 = arith.constant 0 : i32
    %c0_i32_0 = arith.constant 0 : i32
    %c0_i32_1 = arith.constant 0 : i32
    return %c0_i32, %c0_i32_0 : i32, i32
  }
  func.func @transform_7(%arg0: i32) -> i32 {
    %c0_i32 = arith.constant 0 : i32
    %c0_i32_0 = arith.constant 0 : i32
    return %c0_i32 : i32
  }
  func.func @transform_8(%arg0: i32) -> (i32, i32) {
    %c0_i32 = arith.constant 0 : i32
    %c0_i32_0 = arith.constant 0 : i32
    %c0_i32_1 = arith.constant 0 : i32
    return %c0_i32, %c0_i32_0 : i32, i32
  }
  func.func @transform_9(%arg0: i32) -> i32 {
    %c0_i32 = arith.constant 0 : i32
    %c0_i32_0 = arith.constant 0 : i32
    return %c0_i32 : i32
  }
  func.func @transform_10(%arg0: i32) -> (i32, i32) {
    %c0_i32 = arith.constant 0 : i32
    %c0_i32_0 = arith.constant 0 : i32
    return %arg0, %c0_i32 : i32, i32
  }
}

</mosaic_0001>

<sc_bundles>
// kernel: kernel.11.cloned.1.call-start
scs
__scs_entry_jumppad:
0x0: {  	(pc) =	sbr.rel $0x88, $3  }
0x1: {  	(tag) =	ssettag $0x0;
	lr =	simm.s32 $0x1  }
0x2: {  	[smem:$0x3F8E] =	sst lr;
	_ =	strace $0xD0000000  }
0x3: {  	_ = 	snop  }
0x4: {  	_ = 	snop  }
0x5: {  	_ = 	snop  }
0x6: {  	_ = 	snop  }
0x7: {  	_ = 	snop  }
__scs_overlays_trampoline_lowered:
0x8: {  	[smem:$0x3F9D] =	sst s0  }
0x9: {  	[smem:$0x3F9E] =	sst s1  }
0xa: {  	[smem:$0x3F9F] =	sst s2  }
0xb: {  	[smem:$0x3FA0] =	sst s3  }
0xc: {  	[smem:$0x3FA1] =	sst s4  }
0xd: {  	[smem:$0x3FA2] =	sst s5  }
0xe: {  	[smem:$0x3FA3] =	sst s6  }
0xf: {  	[smem:$0x3FA4] =	sst s7  }
0x10: {  	[smem:$0x3FA5] =	sst s8  }
0x11: {  	[smem:$0x3FA6] =	sst s9;
	s0 =	simm.s32 @!p0 $0x0  }
0x12: {  	s1 =	sld [smem:$0x3F8C];
	s0 =	simm.s32 @p0 $0x1  }
0x13: {  	[smem:$0x3FA7] =	sst s0;
	s0 =	simm.s32 @!p1 $0x0  }
0x14: {  	s2 =	sld [smem:$0x3F8B];
	s0 =	simm.s32 @p1 $0x1  }
0x15: {  	[smem:$0x3FA8] =	sst s0;
	s0 =	simm.s32 @!p2 $0x0  }
0x16: {  	s3 =	sld [smem:$0x3FDB];
	s0 =	simm.s32 @p2 $0x1  }
0x17: {  	s4 =	simm.s32 $0x1BF5;
	[smem:$0x3FAA] =	sst s0  }
0x18: {  	s0 =	sld [smem:$0x3F8D];
	_ =	swait.ge [sflag:s4], $0x0  }
0x19: {  	s7 =	sld [smem:$0x3F8E]  }
0x1a: {  	s8 =	sadd.s32 $0xFFFFE003, lr  }
0x1b: {  	s9 =	sadd.s32 $0xFFFFFEF7, lr;
	s5 =	simm.s32 $0xFFFFFFFF;
	p2 =	slt.u32 s8, $0xFFFFF086  }
0x1c: {  	p1 =	slt.u32 s9, $0xF7A;
	s5 =	simm.s32 @!p2 $0x0  }
0x1d: {  	s5 =	simm.s32 @p1 $0x1;
	p0 =	seq.s32 s7, s2  }
0x1e: {  	s7 =	smul.u32 @!p0 $0xF7A, s2;
	p2 =	seq.s32 @!p0 s5, $0x0  }
0x1f: {  	s9 =	smul.u32 $0xF7A, s1;
	s8 =	simm.s32 @!p0 $0x1BF5;
	p2 =	por !p2, p0  }
0x20: {  	[sflag:s8] =	ssyncset.s32 @!p0 $0xFFFFF086;
	s6 =	sadd.s32 @!p0 s3, s7;
	s7 =	simm.s32 @!p0 $0x108  }
0x21: {  	s3 =	sadd.s32 s3, s9;
	s6 =	sadd.s32 @!p0 $0x88, s6;
	s7 =	simm.s32 @p2 $0x1082  }
0x22: {  	[simem:s7], [sflag:s8] =	dma.local @!p0 [hbm:s6], $0xF7A  }
0x23: {  	s9 =	sor.u32 $0xD0000000, s2;
	s6 =	simm.s32 $0x108;
	_ =	swait.ge @!p0 [sflag:s8], $0x0  }
0x24: {  	s3 =	sadd.s32 $0x88, s3;
	s6 =	simm.s32 @!p1 $0x1082;
	[sflag:s4] =	ssyncset.s32 $0xFFFFF086  }
0x25: {  	[simem:s6], [sflag:s4] =	dma.local [hbm:s3], $0xF7A  }
0x26: {  	[smem:$0x3F8E] =	sst s1;
	(tag) =	ssettag s2;
	_ =	strace s9  }
0x27: {  	s1 =	sld [smem:$0x3F9E]  }
0x28: {  	s2 =	sld [smem:$0x3F9F]  }
0x29: {  	s4 =	sld [smem:$0x3FA1]  }
0x2a: {  	p0 =	seq.s32 s5, $0x0;
	s5 =	sld [smem:$0x3FA2]  }
0x2b: {  	s6 =	sld [smem:$0x3FA3]  }
0x2c: {  	s7 =	sld [smem:$0x3FA4]  }
0x2d: {  	s3 =	simm.s32 $0x108;
	s8 =	sld [smem:$0x3FA5]  }
0x2e: {  	s3 =	simm.s32 @!p0 $0x1082;
	s9 =	sld [smem:$0x3FA6]  }
0x2f: {  	lr =	sadd.s32 s0, s3;
	s0 =	sld [smem:$0x3F9D]  }
0x30: {  	s3 =	sld [smem:$0x3FA0]  }
0x31: {  	[smem:$0x3FA9] =	sst s10  }
0x32: {  	s10 =	sld [smem:$0x3FA7];
	_ =	sdelay $0x3  }
0x33: {  	p0 =	seq.s32 s10, $0x1;
	s10 =	sld [smem:$0x3FA9];
	_ =	sdelay $0x3  }
0x34: {  	[smem:$0x3FA9] =	sst s10  }
0x35: {  	s10 =	sld [smem:$0x3FA8];
	_ =	sdelay $0x3  }
0x36: {  	p1 =	seq.s32 s10, $0x1;
	s10 =	sld [smem:$0x3FA9];
	_ =	sdelay $0x3  }
0x37: {  	[smem:$0x3FA9] =	sst s10  }
0x38: {  	s10 =	sld [smem:$0x3FAA]  }
0x39: {  	_ = 	snop;
	(pc) =	sbr.ind lr, $3  }
0x3a: {  	_ = 	snop  }
0x3b: {  	_ = 	snop  }
0x3c: {  	p2 =	seq.s32 s10, $0x1;
	s10 =	sld [smem:$0x3FA9]  }
0x3d: {  	_ =	shalt  }
0x3e: {  	_ =	shalt  }
0x3f: {  	_ =	shalt  }
0x40: {  	_ =	shalt  }
0x41: {  	_ =	shalt  }
0x42: {  	_ =	shalt  }
0x43: {  	_ =	shalt  }
0x44: {  	_ =	shalt  }
0x45: {  	_ =	shalt  }
0x46: {  	_ =	shalt  }
0x47: {  	_ =	shalt  }
0x48: {  	_ =	shalt  }
0x49: {  	_ =	shalt  }
0x4a: {  	_ =	shalt  }
0x4b: {  	_ =	shalt  }
0x4c: {  	_ =	shalt  }
0x4d: {  	_ =	shalt  }
0x4e: {  	_ =	shalt  }
0x4f: {  	_ =	shalt  }
0x50: {  	_ =	shalt  }
0x51: {  	_ =	shalt  }
0x52: {  	_ =	shalt  }
0x53: {  	_ =	shalt  }
0x54: {  	_ =	shalt  }
0x55: {  	_ =	shalt  }
0x56: {  	_ =	shalt  }
0x57: {  	_ =	shalt  }
0x58: {  	_ =	shalt  }
0x59: {  	_ =	shalt  }
0x5a: {  	_ =	shalt  }
0x5b: {  	_ =	shalt  }
0x5c: {  	_ =	shalt  }
0x5d: {  	_ =	shalt  }
0x5e: {  	_ =	shalt  }
0x5f: {  	_ =	shalt  }
0x60: {  	_ =	shalt  }
0x61: {  	_ =	shalt  }
0x62: {  	_ =	shalt  }
0x63: {  	_ =	shalt  }
0x64: {  	_ =	shalt  }
0x65: {  	_ =	shalt  }
0x66: {  	_ =	shalt  }
0x67: {  	_ =	shalt  }
0x68: {  	_ =	shalt  }
0x69: {  	_ =	shalt  }
0x6a: {  	_ =	shalt  }
0x6b: {  	_ =	shalt  }
0x6c: {  	_ =	shalt  }
0x6d: {  	_ =	shalt  }
0x6e: {  	_ =	shalt  }
0x6f: {  	_ =	shalt  }
0x70: {  	_ =	shalt  }
0x71: {  	_ =	shalt  }
0x72: {  	_ =	shalt  }
0x73: {  	_ =	shalt  }
0x74: {  	_ =	shalt  }
0x75: {  	_ =	shalt  }
0x76: {  	_ =	shalt  }
0x77: {  	_ =	shalt  }
0x78: {  	_ =	shalt  }
0x79: {  	_ =	shalt  }
0x7a: {  	_ =	shalt  }
0x7b: {  	_ =	shalt  }
0x7c: {  	_ =	shalt  }
0x7d: {  	_ =	shalt  }
0x7e: {  	_ =	shalt  }
0x7f: {  	_ =	shalt  }
0x80: {  	_ =	shalt  }
0x81: {  	_ =	shalt  }
0x82: {  	_ =	shalt  }
0x83: {  	_ =	shalt  }
0x84: {  	_ =	shalt  }
0x85: {  	_ =	shalt  }
0x86: {  	_ =	shalt  }
0x87: {  	_ =	shalt  }
.Lfunc_end0:
.L_simem_size_0:
called_computation.1_lowered:
.L_overlay_start_0:
0x88: {  	s2 =	sld [smem:$0x3FD9]  }
0x89: {  	s3 =	sld [smem:$0x3FFE];
	_ =	sdelay $0x1  }
0x8a: {  	s1 =	srdreg.scid  }
0x8b: {  	s0 =	sand.u32 $0x1, s1  }
0x8c: {  	s16 =	sshll.u32 s0, $0xA;
	s2 =	sadd.s32 s3, s2  }
0x8d: {  	s2 =	sadd.s32 s2, s16  }
0x8e: {  	[smem:$0x3FB5] =	sst s2  }
0x8f: {  	_ = 	snop  }
0x90: {  	(tm) =	ssettm $0x1  }
0x91: {  	s17 =	sld [smem:$0x3FFB];
	_ =	sdelay $0x3  }
0x92: {  	_ =	strace s17  }
0x93: {  	s2 =	sld [smem:$0x3FFC];
	_ =	sdelay $0x3  }
0x94: {  	_ =	strace s2  }
0x95: {  	s2 =	sld [smem:$0x3FFD];
	_ =	sdelay $0x3  }
0x96: {  	_ =	strace s2  }
0x97: {  	_ =	strace $0x8FFFFFFF  }
0x98: {  	s18 =	sld [smem:$0x3FDB];
	_ =	sdelay $0x1  }
0x99: {  	s19 =	simm.s32 $_scs_section_size  }
0x9a: {  	s4 =	simm.s32 $_size__tile_overlayer_lowered;
	s5 =	simm.s32 $_tile_overlayer_lowered  }
0x9b: {  	s22 =	simm.s32 $0x1BFF;
	s21 =	sshll.u32 s5, $0x1;
	s2 =	sadd.s32 s19, s18  }
0x9c: {  	s6 =	simm.s32 $0x0;
	s20 =	sshll.u32 s4, $0x1;
	s4 =	sadd.s32 s21, s2  }
0x9d: {  	[timem:s6], [sflag:s22] =	dma.local [hbm:s4], s20  }
0x9e: {  	_ =	swait.ge [sflag:s22], s20  }
0x9f: {  	s3 =	ssub.s32 $0x0, s20;
	[sflag:s22] =	ssyncset.done $0x0  }
0xa0: {  	[sflag:s22] =	ssyncadd.s32 s3;
	_ =	sdelay $0x1  }
0xa1: {  	s23 =	simm.s32 $0x1B8B  }
0xa2: {  	_ =	swait.ge [sflag:s23], $0x1  }
0xa3: {  	[sflag:s23] =	ssyncset.done $0x0  }
0xa4: {  	s25 =	simm.s32 $0x1B8E;
	s24 =	sld [smem:$0x3FFE];
	[sflag:s23] =	ssyncadd.s32 $0xFFFFFFFF  }
0xa5: {  	s26 =	simm.s32 $execute0_lowered;
	[smem:$0x3FD2] =	sst s25  }
0xa6: {  	s4 =	sshll.u32 s26, $0x1;
	_ =	strace $0x80000049;
	[dreg:$0x1] =	wrdreg $0xFFFFFFFF  }
0xa7: {  	s28 =	simm.s32 $_size_execute0_lowered;
	s2 =	sadd.s32 s2, s4;
	[dreg:$0x0] =	wrdreg $0x0  }
0xa8: {  	s4 =	sshll.u32 s28, $0x1;
	[dreg:$0x2] =	wrdreg s2  }
0xa9: {  	[dreg:$0x3] =	wrdreg s4  }
0xaa: {  	[dreg:$0x4] =	wrdreg $0xC0  }
0xab: {  	_ =	task [dreg:s6], $0x5FFFF  }
0xac: {  	[dreg:$0x1] =	wrdreg $0xFFFFFFFF  }
0xad: {  	[dreg:$0x0] =	wrdreg $0x60  }
0xae: {  	[dreg:$0x2] =	wrdreg s24  }
0xaf: {  	[dreg:$0x3] =	wrdreg $0xA6800  }
0xb0: {  	[dreg:$0x4] =	wrdreg $0x9  }
0xb1: {  	_ =	task.clear_ibuf [dreg:s6], $0x5FFFF;
	_ =	strace $0x90000049  }
0xb2: {  	s29 =	simm.s32 $0x9;
	_ =	strace $0x8000004B  }
0xb3: {  	_ =	swait.ge [sflag:s29], $0x1  }
0xb4: {  	[sflag:s29] =	ssyncadd.s32 $0xFFFFFFFF  }
0xb5: {  	_ =	strace $0x9000004B  }
0xb6: {  	_ =	sfence  }
0xb7: {  	s30 =	sld [smem:$0x0];
	_ =	sdelay $0x2  }
0xb8: {  	s31 =	sshll.u32 s1, $0xD;
	s1 =	sshrl.u32 s1, $0x2  }
0xb9: {  	s3 =	sand.u32 $0x4000, s31;
	s1 =	sadd.s32 s1, s30  }
0xba: {  	s0 =	sor.u32 s3, s0;
	s1 =	sshll.u32 s1, $0x11  }
0xbb: {  	s0 =	sor.u32 s1, s0  }
0xbc: {  	s0 =	sadd.s32 $0x8F2B, s0  }
0xbd: {  	[sflag:s0] =	ssyncadd.remote.s32 $0x1  }
0xbe: {  	_ =	sfence.sel $0xFFFF  }
0xbf: {  	[dreg:$0x0] =	wrdreg $0xFFFFFFFF;
	(pc) =	sbr.abs _section_cstart, $3  }
0xc0: {  	[dreg:$0x1] =	wrdreg $0xFFFFFFFF  }
0xc1: {  	_ =	task.clear_ibuf [dreg:s6], $0x2FFFF;
	_ =	strace $0x9FFFFFFF  }
0xc2: {  	(tm) =	ssettm $0x7FFFFFFF  }
0xc3: {  	_ =	shalt  }
tec
execute0_lowered:
.L_overlay_start_1:
0x0: {  	(tag) =	ssettag $0x1  }
0x1: {  	s6 =	rddreg [dreg:$0x0]  }
0x2: {  	s0 =	srdreg.scid;
	s2 =	rddreg [dreg:$0x1]  }
0x3: {  	s1 =	stileid.u32;
	s3 =	simm.s32 $0x0;
	s22 =	simm.s32 $0x7D  }
0x4: {  	s23 =	simm.s32 $0x2800;
	s9 =	sand.u32 $0x1, s0;
	s0 =	rddreg [dreg:$0x2]  }
0x5: {  	s24 =	simm.s32 $0x0;
	[smem:$0x7FF] =	sst s3;
	s12 =	smul.u32 $0x14000, s1  }
0x6: {  	s17 =	sadd.s32 $0x36400, s6;
	s4 =	sshll.u32 s9, $0x4;
	_ =	strace $0x8000004A  }
0x7: {  	s8 =	ssub.s32 $0x2, s9;
	s19 =	smul.u32 $0x140000, s9;
	s4 =	sor.u32 s1, s4  }
0x8: {  	s10 =	sshrl.u32 s8, $0x1;
	s13 =	sadd.s32 $0x4000, s12;
	s15 =	sadd.s32 $0x8000, s12  }
0x9: {  	s16 =	sadd.s32 $0xC000, s12;
	s20 =	sadd.s32 $0x10000, s12;
	s5 =	smul.u32 $0x280, s4  }
0xa: {  	s4 =	sadd.s32 $0xF200, s6;
	s18 =	ssub.s32 s8, s10;
	s8 =	sadd.s32 s12, s2  }
0xb: {  	s9 =	sadd.s32 s13, s2;
	s10 =	sadd.s32 s15, s2;
	s11 =	sadd.s32 s16, s2  }
0xc: {  	s14 =	sadd.s32 s12, s19;
	s13 =	sadd.s32 s19, s13;
	s12 =	sadd.s32 s20, s2  }
0xd: {  	s15 =	sadd.s32 s19, s15;
	s16 =	sadd.s32 s19, s16;
	s19 =	sadd.s32 s19, s20  }
0xe: {  	s20 =	simm.s32 $0x1400;
	s14 =	sshrl.u32 s14, $0x3;
	s21 =	sshrl.u32 s13, $0x3  }
0xf: {  	s15 =	sshrl.u32 s15, $0x3;
	s16 =	sshrl.u32 s16, $0x3;
	s19 =	sshrl.u32 s19, $0x3  }
0x10: {  	s18 =	smax.u32 s18, $0x1;
	s7 =	sadd.s32 s5, s6;
	s5 =	sadd.s32 $0xEA00, s6  }
0x11: {  	s13 =	sadd.s32 s17, s14;
	s14 =	sadd.s32 s17, s21;
	s15 =	sadd.s32 s17, s15  }
0x12: {  	s16 =	sadd.s32 s17, s16;
	s17 =	sadd.s32 s17, s19;
	s19 =	simm.s32 $0x1  }
0x13: {  	s21 =	simm.s32 $0x6680;
	s6 =	sadd.s32 $0x9A00, s7;
	s7 =	sadd.s32 $0x4A00, s7  }
.LBB2_1:
0x14: {  	[tilespmem:s3], [sflag:$0x1] =	stream.linear.gather [hbm4b:s6+s3], $0x1400, $0x38;
	[tilespmem:$0x1E680] =	vst v63  }
0x15: {  	_ =	swait.ge [sflag:s19], $0x1400  }
0x16: {  	[sflag:s19] =	ssyncset.done $0x0  }
0x17: {  	[sflag:s19] =	ssyncadd.s32 $0xFFFFEC00  }
0x18: {  	[tilespmem:s20], [sflag:$0x1] =	stream.linear.gather [hbm4b:s7+s3], $0x1400, $0x38;
	[tilespmem:$0x1E680] =	vst v63  }
0x19: {  	_ =	swait.ge [sflag:s19], $0x1400  }
0x1a: {  	[sflag:s19] =	ssyncset.done $0x0  }
0x1b: {  	[sflag:s19] =	ssyncadd.s32 $0xFFFFEC00  }
0x1c: {  	[tilespmem:s21], [sflag:$0x1] =	stream.linear.gather [hbm4b:s5+s3], $0x4000, $0x38;
	[tilespmem:$0x1E680] =	vst v63  }
0x1d: {  	_ =	swait.ge [sflag:s19], $0x4000  }
0x1e: {  	[sflag:s19] =	ssyncset.done $0x0  }
0x1f: {  	[sflag:s19] =	ssyncadd.s32 $0xFFFFC000  }
0x20: {  	[spmem:s8] =	stream.linear.scatter [tilespmem:s21], [sflag:$0x1], $0x4000, $0x38;
	[tilespmem:$0x1E680] =	vst v63  }
0x21: {  	_ =	swait.ge [sflag:s19], $0x4000  }
0x22: {  	[sflag:s19] =	ssyncset.done $0x0  }
0x23: {  	[sflag:s19] =	ssyncadd.s32 $0xFFFFC000  }
0x24: {  	[spmem:s9] =	stream.linear.scatter [tilespmem:s21], [sflag:$0x1], $0x4000, $0x38;
	[tilespmem:$0x1E680] =	vst v63  }
0x25: {  	_ =	swait.ge [sflag:s19], $0x4000  }
0x26: {  	[sflag:s19] =	ssyncset.done $0x0  }
0x27: {  	[sflag:s19] =	ssyncadd.s32 $0xFFFFC000  }
0x28: {  	[spmem:s10] =	stream.linear.scatter [tilespmem:s21], [sflag:$0x1], $0x4000, $0x38;
	[tilespmem:$0x1E680] =	vst v63  }
0x29: {  	_ =	swait.ge [sflag:s19], $0x4000  }
0x2a: {  	[sflag:s19] =	ssyncset.done $0x0  }
0x2b: {  	[sflag:s19] =	ssyncadd.s32 $0xFFFFC000  }
0x2c: {  	[spmem:s11] =	stream.linear.scatter [tilespmem:s21], [sflag:$0x1], $0x4000, $0x38;
	[tilespmem:$0x1E680] =	vst v63  }
0x2d: {  	_ =	swait.ge [sflag:s19], $0x4000  }
0x2e: {  	[sflag:s19] =	ssyncset.done $0x0  }
0x2f: {  	[sflag:s19] =	ssyncadd.s32 $0xFFFFC000  }
0x30: {  	[spmem:s12] =	stream.linear.scatter [tilespmem:s21], [sflag:$0x1], $0x4000, $0x38;
	[tilespmem:$0x1E680] =	vst v63  }
0x31: {  	_ =	swait.ge [sflag:s19], $0x4000  }
0x32: {  	[sflag:s19] =	ssyncset.done $0x0  }
0x33: {  	[sflag:s19] =	ssyncadd.s32 $0xFFFFC000  }
0x34: {  	s25 =	simm.s32 $0x0;
	[bflag:$0x0] =	sbarrier.arrive $0xFFFF  }
0x35: {  	[tilespmem:s23], [sflag:$0x1] =	stream.indirect.gather [hbm4b:s4+s22], $0x80, s25, s22, $0xb8;
	[tilespmem:$0x1E680] =	vst v63  }
0x36: {  	_ =	swait.ge [sflag:s19], $0x3E80  }
0x37: {  	[sflag:s19] =	ssyncset.done $0x0  }
0x38: {  	s31 =	simm.s32 $0x1400;
	[sflag:s19] =	ssyncadd.s32 $0xFFFFC180  }
0x39: {  	[spmem:s2] =	stream.indirect.scatter.add.f32 [tilespmem:s23], [sflag:$0x1], $0x80, s31, s22, $0xb8;
	[tilespmem:$0x1E680] =	vst v63  }
0x3a: {  	_ =	swait.ge [sflag:s19], $0x3E80  }
0x3b: {  	s26 =	simm.s32 $0x400;
	s25 =	simm.s32 $0x200;
	[sflag:s19] =	ssyncset.done $0x0  }
.LBB2_2:
0x3c: {  	s28 =	sshra.s32 s25, $0x2  }
0x3d: {  	[sflag:s19] =	ssyncadd.s32 $0xFFFFC180;
	s25 =	smov.u32 s26;
	s29 =	sadd.s32 $0x200, s26  }
0x3e: {  	[tilespmem:s23], [sflag:$0x1] =	stream.indirect.gather [hbm4b:s4+s22], $0x80, s28, s22, $0xb8;
	[tilespmem:$0x1E680] =	vst v63  }
0x3f: {  	p0 =	sne.s32 s26, $0x4E00;
	_ =	swait.ge [sflag:s19], $0x3E80  }
.Ltmp0:
0x40: {  	[sflag:s19] =	ssyncset.done $0x0;
	(pc) =	sbr.rel @p0 .LBB2_2-.Ltmp0, $4  }
0x41: {  	s26 =	sadd.s32 $0x1400, s28;
	[sflag:s19] =	ssyncadd.s32 $0xFFFFC180  }
0x42: {  	[spmem:s2] =	stream.indirect.scatter.add.f32 [tilespmem:s23], [sflag:$0x1], $0x80, s26, s22, $0xb8;
	[tilespmem:$0x1E680] =	vst v63  }
0x43: {  	_ =	swait.ge [sflag:s19], $0x3E80  }
0x44: {  	s26 =	smov.u32 s29;
	[sflag:s19] =	ssyncset.done $0x0  }
0x45: {  	s25 =	sshra.s32 s25, $0x2;
	[sflag:s19] =	ssyncadd.s32 $0xFFFFC180  }
0x46: {  	[tilespmem:s23], [sflag:$0x1] =	stream.indirect.gather [hbm4b:s4+s22], $0x80, s25, s22, $0xb8;
	[tilespmem:$0x1E680] =	vst v63  }
0x47: {  	_ =	swait.ge [sflag:s19], $0x3E80  }
0x48: {  	[sflag:s19] =	ssyncset.done $0x0  }
0x49: {  	s25 =	sadd.s32 $0x1400, s25;
	[sflag:s19] =	ssyncadd.s32 $0xFFFFC180  }
0x4a: {  	[spmem:s2] =	stream.indirect.scatter.add.f32 [tilespmem:s23], [sflag:$0x1], $0x80, s25, s22, $0xb8;
	[tilespmem:$0x1E680] =	vst v63  }
0x4b: {  	_ =	swait.ge [sflag:s19], $0x3E80  }
0x4c: {  	[sflag:s19] =	ssyncset.done $0x0  }
0x4d: {  	[sflag:s19] =	ssyncadd.s32 $0xFFFFC180  }
0x4e: {  	[bflag:$0x0] =	sbarrier.arrive $0xFFFF  }
0x4f: {  	[tilespmem:s21], [sflag:$0x1] =	stream.linear.gather [spmem:s8], $0x4000, $0x38;
	[tilespmem:$0x1E680] =	vst v63  }
0x50: {  	_ =	swait.ge [sflag:s19], $0x4000  }
0x51: {  	[sflag:s19] =	ssyncset.done $0x0  }
0x52: {  	[sflag:s19] =	ssyncadd.s32 $0xFFFFC000  }
0x53: {  	[hbm4b:s13+s3] =	stream.linear.scatter [tilespmem:s21], [sflag:$0x1], $0x4000, $0x38;
	[tilespmem:$0x1E680] =	vst v63  }
0x54: {  	_ =	swait.ge [sflag:s19], $0x4000  }
0x55: {  	[sflag:s19] =	ssyncset.done $0x0  }
0x56: {  	[sflag:s19] =	ssyncadd.s32 $0xFFFFC000  }
0x57: {  	[tilespmem:s21], [sflag:$0x1] =	stream.linear.gather [spmem:s9], $0x4000, $0x38;
	[tilespmem:$0x1E680] =	vst v63  }
0x58: {  	_ =	swait.ge [sflag:s19], $0x4000  }
0x59: {  	[sflag:s19] =	ssyncset.done $0x0  }
0x5a: {  	[sflag:s19] =	ssyncadd.s32 $0xFFFFC000  }
0x5b: {  	[hbm4b:s14+s3] =	stream.linear.scatter [tilespmem:s21], [sflag:$0x1], $0x4000, $0x38;
	[tilespmem:$0x1E680] =	vst v63  }
0x5c: {  	_ =	swait.ge [sflag:s19], $0x4000  }
0x5d: {  	[sflag:s19] =	ssyncset.done $0x0  }
0x5e: {  	[sflag:s19] =	ssyncadd.s32 $0xFFFFC000  }
0x5f: {  	[tilespmem:s21], [sflag:$0x1] =	stream.linear.gather [spmem:s10], $0x4000, $0x38;
	[tilespmem:$0x1E680] =	vst v63  }
0x60: {  	_ =	swait.ge [sflag:s19], $0x4000  }
0x61: {  	[sflag:s19] =	ssyncset.done $0x0  }
0x62: {  	[sflag:s19] =	ssyncadd.s32 $0xFFFFC000  }
0x63: {  	[hbm4b:s15+s3] =	stream.linear.scatter [tilespmem:s21], [sflag:$0x1], $0x4000, $0x38;
	[tilespmem:$0x1E680] =	vst v63  }
0x64: {  	_ =	swait.ge [sflag:s19], $0x4000  }
0x65: {  	[sflag:s19] =	ssyncset.done $0x0  }
0x66: {  	[sflag:s19] =	ssyncadd.s32 $0xFFFFC000  }
0x67: {  	[tilespmem:s21], [sflag:$0x1] =	stream.linear.gather [spmem:s11], $0x4000, $0x38;
	[tilespmem:$0x1E680] =	vst v63  }
0x68: {  	_ =	swait.ge [sflag:s19], $0x4000  }
0x69: {  	[sflag:s19] =	ssyncset.done $0x0  }
0x6a: {  	[sflag:s19] =	ssyncadd.s32 $0xFFFFC000  }
0x6b: {  	[hbm4b:s16+s3] =	stream.linear.scatter [tilespmem:s21], [sflag:$0x1], $0x4000, $0x38;
	[tilespmem:$0x1E680] =	vst v63  }
0x6c: {  	_ =	swait.ge [sflag:s19], $0x4000  }
0x6d: {  	[sflag:s19] =	ssyncset.done $0x0  }
0x6e: {  	[sflag:s19] =	ssyncadd.s32 $0xFFFFC000  }
0x6f: {  	[tilespmem:s21], [sflag:$0x1] =	stream.linear.gather [spmem:s12], $0x4000, $0x38;
	[tilespmem:$0x1E680] =	vst v63  }
0x70: {  	s24 =	sadd.s32 $0x1, s24;
	_ =	swait.ge [sflag:s19], $0x4000  }
0x71: {  	p0 =	sne.s32 s24, s18;
	[sflag:s19] =	ssyncset.done $0x0  }
.Ltmp1:
0x72: {  	[sflag:s19] =	ssyncadd.s32 $0xFFFFC000;
	(pc) =	sbr.rel @p0 .LBB2_1-.Ltmp1, $4  }
0x73: {  	[hbm4b:s17+s3] =	stream.linear.scatter [tilespmem:s21], [sflag:$0x1], $0x4000, $0x38;
	[tilespmem:$0x1E680] =	vst v63  }
0x74: {  	_ =	swait.ge [sflag:s19], $0x4000  }
0x75: {  	[sflag:s19] =	ssyncset.done $0x0  }
0x76: {  	[sflag:s19] =	ssyncadd.s32 $0xFFFFC000  }
0x77: {  	_ =	sfence.sel $0x180000  }
0x78: {  	[bflag:$0x0] =	sbarrier.arrive $0xFFFF  }
0x79: {  	p0 =	sne.s32 s1, $0x0;
	_ =	strace $0x9000004A  }
0x7a: {  	s0 =	sadd.s32 @!p0 $0x100000, s0;
	[bflag:$0x2] =	sbarrier.arrive $0xFFFF  }
0x7b: {  	[sflag:s0] =	ssyncadd.tile.s32 @!p0 $0x1;
	_ =	shalt  }
.Lfunc_end2:
_tile_overlayer_lowered:
.L_overlay_start_2:
0x7c: {  	(tag) =	ssettag $0x2  }
0x7d: {  	s0 =	rddreg [dreg:$0x0];
	s2 =	stileid.u32  }
0x7e: {  	s1 =	rddreg [dreg:$0x1];
	p0 =	sne.s32 s2, $0x0  }
0x7f: {  	s3 =	rddreg [dreg:$0x2];
	[bflag:$0x3] =	sbarrier.arrive $0xFFFF;
	s2 =	simm.s32 @!p0 $0x1C01  }
0x80: {  	[timem:s3], [sflag:s2] =	dma.local @!p0 [hbm:s0], s1  }
0x81: {  	s0 =	simm.s32 @!p0 $0x1  }
0x82: {  	_ =	swait.ge @!p0 [sflag:s0], s1  }
0x83: {  	s1 =	ssub.s32 @!p0 $0x0, s1;
	[sflag:s0] =	ssyncset.done @!p0 $0x0  }
0x84: {  	[sflag:s0] =	ssyncadd.s32 @!p0 s1  }
0x85: {  	[bflag:$0x3] =	sbarrier.arrive $0xFFFF  }
0x86: {  	_ =	shalt  }

// kernel: kernel.14.cloned.1.call-start
scs
__scs_entry_jumppad:
0x0: {  	(pc) =	sbr.rel $0x88, $3  }
0x1: {  	(tag) =	ssettag $0x0;
	lr =	simm.s32 $0x1  }
0x2: {  	[smem:$0x3F8E] =	sst lr;
	_ =	strace $0xD0000000  }
0x3: {  	_ = 	snop  }
0x4: {  	_ = 	snop  }
0x5: {  	_ = 	snop  }
0x6: {  	_ = 	snop  }
0x7: {  	_ = 	snop  }
__scs_overlays_trampoline_lowered:
0x8: {  	[smem:$0x3F9D] =	sst s0  }
0x9: {  	[smem:$0x3F9E] =	sst s1  }
0xa: {  	[smem:$0x3F9F] =	sst s2  }
0xb: {  	[smem:$0x3FA0] =	sst s3  }
0xc: {  	[smem:$0x3FA1] =	sst s4  }
0xd: {  	[smem:$0x3FA2] =	sst s5  }
0xe: {  	[smem:$0x3FA3] =	sst s6  }
0xf: {  	[smem:$0x3FA4] =	sst s7  }
0x10: {  	[smem:$0x3FA5] =	sst s8  }
0x11: {  	[smem:$0x3FA6] =	sst s9;
	s0 =	simm.s32 @!p0 $0x0  }
0x12: {  	s1 =	sld [smem:$0x3F8C];
	s0 =	simm.s32 @p0 $0x1  }
0x13: {  	[smem:$0x3FA7] =	sst s0;
	s0 =	simm.s32 @!p1 $0x0  }
0x14: {  	s2 =	sld [smem:$0x3F8B];
	s0 =	simm.s32 @p1 $0x1  }
0x15: {  	[smem:$0x3FA8] =	sst s0;
	s0 =	simm.s32 @!p2 $0x0  }
0x16: {  	s3 =	sld [smem:$0x3FDB];
	s0 =	simm.s32 @p2 $0x1  }
0x17: {  	s4 =	simm.s32 $0x1BF5;
	[smem:$0x3FAA] =	sst s0  }
0x18: {  	s0 =	sld [smem:$0x3F8D];
	_ =	swait.ge [sflag:s4], $0x0  }
0x19: {  	s7 =	sld [smem:$0x3F8E]  }
0x1a: {  	s8 =	sadd.s32 $0xFFFFE003, lr  }
0x1b: {  	s9 =	sadd.s32 $0xFFFFFEF7, lr;
	s5 =	simm.s32 $0xFFFFFFFF;
	p2 =	slt.u32 s8, $0xFFFFF086  }
0x1c: {  	p1 =	slt.u32 s9, $0xF7A;
	s5 =	simm.s32 @!p2 $0x0  }
0x1d: {  	s5 =	simm.s32 @p1 $0x1;
	p0 =	seq.s32 s7, s2  }
0x1e: {  	s7 =	smul.u32 @!p0 $0xF7A, s2;
	p2 =	seq.s32 @!p0 s5, $0x0  }
0x1f: {  	s9 =	smul.u32 $0xF7A, s1;
	s8 =	simm.s32 @!p0 $0x1BF5;
	p2 =	por !p2, p0  }
0x20: {  	[sflag:s8] =	ssyncset.s32 @!p0 $0xFFFFF086;
	s6 =	sadd.s32 @!p0 s3, s7;
	s7 =	simm.s32 @!p0 $0x108  }
0x21: {  	s3 =	sadd.s32 s3, s9;
	s6 =	sadd.s32 @!p0 $0x88, s6;
	s7 =	simm.s32 @p2 $0x1082  }
0x22: {  	[simem:s7], [sflag:s8] =	dma.local @!p0 [hbm:s6], $0xF7A  }
0x23: {  	s9 =	sor.u32 $0xD0000000, s2;
	s6 =	simm.s32 $0x108;
	_ =	swait.ge @!p0 [sflag:s8], $0x0  }
0x24: {  	s3 =	sadd.s32 $0x88, s3;
	s6 =	simm.s32 @!p1 $0x1082;
	[sflag:s4] =	ssyncset.s32 $0xFFFFF086  }
0x25: {  	[simem:s6], [sflag:s4] =	dma.local [hbm:s3], $0xF7A  }
0x26: {  	[smem:$0x3F8E] =	sst s1;
	(tag) =	ssettag s2;
	_ =	strace s9  }
0x27: {  	s1 =	sld [smem:$0x3F9E]  }
0x28: {  	s2 =	sld [smem:$0x3F9F]  }
0x29: {  	s4 =	sld [smem:$0x3FA1]  }
0x2a: {  	p0 =	seq.s32 s5, $0x0;
	s5 =	sld [smem:$0x3FA2]  }
0x2b: {  	s6 =	sld [smem:$0x3FA3]  }
0x2c: {  	s7 =	sld [smem:$0x3FA4]  }
0x2d: {  	s3 =	simm.s32 $0x108;
	s8 =	sld [smem:$0x3FA5]  }
0x2e: {  	s3 =	simm.s32 @!p0 $0x1082;
	s9 =	sld [smem:$0x3FA6]  }
0x2f: {  	lr =	sadd.s32 s0, s3;
	s0 =	sld [smem:$0x3F9D]  }
0x30: {  	s3 =	sld [smem:$0x3FA0]  }
0x31: {  	[smem:$0x3FA9] =	sst s10  }
0x32: {  	s10 =	sld [smem:$0x3FA7];
	_ =	sdelay $0x3  }
0x33: {  	p0 =	seq.s32 s10, $0x1;
	s10 =	sld [smem:$0x3FA9];
	_ =	sdelay $0x3  }
0x34: {  	[smem:$0x3FA9] =	sst s10  }
0x35: {  	s10 =	sld [smem:$0x3FA8];
	_ =	sdelay $0x3  }
0x36: {  	p1 =	seq.s32 s10, $0x1;
	s10 =	sld [smem:$0x3FA9];
	_ =	sdelay $0x3  }
0x37: {  	[smem:$0x3FA9] =	sst s10  }
0x38: {  	s10 =	sld [smem:$0x3FAA]  }
0x39: {  	_ = 	snop;
	(pc) =	sbr.ind lr, $3  }
0x3a: {  	_ = 	snop  }
0x3b: {  	_ = 	snop  }
0x3c: {  	p2 =	seq.s32 s10, $0x1;
	s10 =	sld [smem:$0x3FA9]  }
0x3d: {  	_ =	shalt  }
0x3e: {  	_ =	shalt  }
0x3f: {  	_ =	shalt  }
0x40: {  	_ =	shalt  }
0x41: {  	_ =	shalt  }
0x42: {  	_ =	shalt  }
0x43: {  	_ =	shalt  }
0x44: {  	_ =	shalt  }
0x45: {  	_ =	shalt  }
0x46: {  	_ =	shalt  }
0x47: {  	_ =	shalt  }
0x48: {  	_ =	shalt  }
0x49: {  	_ =	shalt  }
0x4a: {  	_ =	shalt  }
0x4b: {  	_ =	shalt  }
0x4c: {  	_ =	shalt  }
0x4d: {  	_ =	shalt  }
0x4e: {  	_ =	shalt  }
0x4f: {  	_ =	shalt  }
0x50: {  	_ =	shalt  }
0x51: {  	_ =	shalt  }
0x52: {  	_ =	shalt  }
0x53: {  	_ =	shalt  }
0x54: {  	_ =	shalt  }
0x55: {  	_ =	shalt  }
0x56: {  	_ =	shalt  }
0x57: {  	_ =	shalt  }
0x58: {  	_ =	shalt  }
0x59: {  	_ =	shalt  }
0x5a: {  	_ =	shalt  }
0x5b: {  	_ =	shalt  }
0x5c: {  	_ =	shalt  }
0x5d: {  	_ =	shalt  }
0x5e: {  	_ =	shalt  }
0x5f: {  	_ =	shalt  }
0x60: {  	_ =	shalt  }
0x61: {  	_ =	shalt  }
0x62: {  	_ =	shalt  }
0x63: {  	_ =	shalt  }
0x64: {  	_ =	shalt  }
0x65: {  	_ =	shalt  }
0x66: {  	_ =	shalt  }
0x67: {  	_ =	shalt  }
0x68: {  	_ =	shalt  }
0x69: {  	_ =	shalt  }
0x6a: {  	_ =	shalt  }
0x6b: {  	_ =	shalt  }
0x6c: {  	_ =	shalt  }
0x6d: {  	_ =	shalt  }
0x6e: {  	_ =	shalt  }
0x6f: {  	_ =	shalt  }
0x70: {  	_ =	shalt  }
0x71: {  	_ =	shalt  }
0x72: {  	_ =	shalt  }
0x73: {  	_ =	shalt  }
0x74: {  	_ =	shalt  }
0x75: {  	_ =	shalt  }
0x76: {  	_ =	shalt  }
0x77: {  	_ =	shalt  }
0x78: {  	_ =	shalt  }
0x79: {  	_ =	shalt  }
0x7a: {  	_ =	shalt  }
0x7b: {  	_ =	shalt  }
0x7c: {  	_ =	shalt  }
0x7d: {  	_ =	shalt  }
0x7e: {  	_ =	shalt  }
0x7f: {  	_ =	shalt  }
0x80: {  	_ =	shalt  }
0x81: {  	_ =	shalt  }
0x82: {  	_ =	shalt  }
0x83: {  	_ =	shalt  }
0x84: {  	_ =	shalt  }
0x85: {  	_ =	shalt  }
0x86: {  	_ =	shalt  }
0x87: {  	_ =	shalt  }
.Lfunc_end0:
.L_simem_size_0:
called_computation.2_lowered:
.L_overlay_start_0:
0x88: {  	s2 =	sld [smem:$0x3FD9]  }
0x89: {  	s3 =	sld [smem:$0x3FFE];
	_ =	sdelay $0x1  }
0x8a: {  	s1 =	srdreg.scid  }
0x8b: {  	s0 =	sand.u32 $0x1, s1  }
0x8c: {  	s16 =	sshll.u32 s0, $0xA;
	s2 =	sadd.s32 s3, s2  }
0x8d: {  	s2 =	sadd.s32 s2, s16  }
0x8e: {  	[smem:$0x3FB5] =	sst s2  }
0x8f: {  	_ = 	snop  }
0x90: {  	(tm) =	ssettm $0x1  }
0x91: {  	s17 =	sld [smem:$0x3FFB];
	_ =	sdelay $0x3  }
0x92: {  	_ =	strace s17  }
0x93: {  	s2 =	sld [smem:$0x3FFC];
	_ =	sdelay $0x3  }
0x94: {  	_ =	strace s2  }
0x95: {  	s2 =	sld [smem:$0x3FFD];
	_ =	sdelay $0x3  }
0x96: {  	_ =	strace s2  }
0x97: {  	_ =	strace $0x8FFFFFFF  }
0x98: {  	s18 =	sld [smem:$0x3FDB];
	_ =	sdelay $0x1  }
0x99: {  	s19 =	simm.s32 $_scs_section_size  }
0x9a: {  	s4 =	simm.s32 $_size__tile_overlayer_lowered;
	s5 =	simm.s32 $_tile_overlayer_lowered  }
0x9b: {  	s22 =	simm.s32 $0x1BFF;
	s21 =	sshll.u32 s5, $0x1;
	s2 =	sadd.s32 s19, s18  }
0x9c: {  	s6 =	simm.s32 $0x0;
	s20 =	sshll.u32 s4, $0x1;
	s4 =	sadd.s32 s21, s2  }
0x9d: {  	[timem:s6], [sflag:s22] =	dma.local [hbm:s4], s20  }
0x9e: {  	_ =	swait.ge [sflag:s22], s20  }
0x9f: {  	s3 =	ssub.s32 $0x0, s20;
	[sflag:s22] =	ssyncset.done $0x0  }
0xa0: {  	[sflag:s22] =	ssyncadd.s32 s3;
	_ =	sdelay $0x1  }
0xa1: {  	s23 =	simm.s32 $0x1B8B  }
0xa2: {  	_ =	swait.ge [sflag:s23], $0x1  }
0xa3: {  	[sflag:s23] =	ssyncset.done $0x0  }
0xa4: {  	s25 =	simm.s32 $0x1B8E;
	s24 =	sld [smem:$0x3FFE];
	[sflag:s23] =	ssyncadd.s32 $0xFFFFFFFF  }
0xa5: {  	s26 =	simm.s32 $execute0_lowered;
	[smem:$0x3FD2] =	sst s25  }
0xa6: {  	s4 =	sshll.u32 s26, $0x1;
	_ =	strace $0x8000004C;
	[dreg:$0x1] =	wrdreg $0xFFFFFFFF  }
0xa7: {  	s28 =	simm.s32 $_size_execute0_lowered;
	s2 =	sadd.s32 s2, s4;
	[dreg:$0x0] =	wrdreg $0x0  }
0xa8: {  	s4 =	sshll.u32 s28, $0x1;
	[dreg:$0x2] =	wrdreg s2  }
0xa9: {  	[dreg:$0x3] =	wrdreg s4  }
0xaa: {  	[dreg:$0x4] =	wrdreg $0xC0  }
0xab: {  	_ =	task [dreg:s6], $0x5FFFF  }
0xac: {  	[dreg:$0x1] =	wrdreg $0xFFFFFFFF  }
0xad: {  	[dreg:$0x0] =	wrdreg $0x60  }
0xae: {  	[dreg:$0x2] =	wrdreg s24  }
0xaf: {  	[dreg:$0x3] =	wrdreg $0x9  }
0xb0: {  	_ =	task.clear_ibuf [dreg:s6], $0x4FFFF;
	_ =	strace $0x9000004C  }
0xb1: {  	s29 =	simm.s32 $0x9;
	_ =	strace $0x8000004E  }
0xb2: {  	_ =	swait.ge [sflag:s29], $0x1  }
0xb3: {  	[sflag:s29] =	ssyncadd.s32 $0xFFFFFFFF  }
0xb4: {  	_ =	strace $0x9000004E  }
0xb5: {  	_ =	sfence  }
0xb6: {  	s30 =	sld [smem:$0x0];
	_ =	sdelay $0x2  }
0xb7: {  	s31 =	sshll.u32 s1, $0xD;
	s1 =	sshrl.u32 s1, $0x2  }
0xb8: {  	s3 =	sand.u32 $0x4000, s31;
	s1 =	sadd.s32 s1, s30  }
0xb9: {  	s0 =	sor.u32 s3, s0;
	s1 =	sshll.u32 s1, $0x11  }
0xba: {  	s0 =	sor.u32 s1, s0  }
0xbb: {  	s0 =	sadd.s32 $0x8F2B, s0  }
0xbc: {  	[sflag:s0] =	ssyncadd.remote.s32 $0x1  }
0xbd: {  	_ =	sfence.sel $0xFFFF  }
0xbe: {  	[dreg:$0x0] =	wrdreg $0xFFFFFFFF;
	(pc) =	sbr.abs _section_cstart, $3  }
0xbf: {  	[dreg:$0x1] =	wrdreg $0xFFFFFFFF  }
0xc0: {  	_ =	task.clear_ibuf [dreg:s6], $0x2FFFF;
	_ =	strace $0x9FFFFFFF  }
0xc1: {  	(tm) =	ssettm $0x7FFFFFFF  }
tec
execute0_lowered:
.L_overlay_start_1:
0x0: {  	(tag) =	ssettag $0x1  }
0x1: {  	s5 =	rddreg [dreg:$0x0];
	s1 =	srdreg.scid  }
0x2: {  	s0 =	rddreg [dreg:$0x1];
	s2 =	simm.s32 $0x0;
	s11 =	simm.s32 $0x1400  }
0x3: {  	s12 =	simm.s32 $0x7D;
	s13 =	simm.s32 $0x2800;
	s14 =	simm.s32 $0xA500  }
0x4: {  	s15 =	simm.s32 $0x0;
	s4 =	sand.u32 $0x1, s1;
	[smem:$0x7FF] =	sst s2  }
0x5: {  	s1 =	stileid.u32;
	s3 =	sshll.u32 s4, $0x4;
	_ =	strace $0x8000004D  }
0x6: {  	s7 =	smul.u32 $0x271000, s4;
	s8 =	ssub.s32 $0x2, s4;
	s4 =	sadd.s32 $0x5CC00, s5  }
0x7: {  	s10 =	smul.u32 $0x27100, s1;
	s3 =	sor.u32 s1, s3;
	s9 =	sshrl.u32 s8, $0x1  }
0x8: {  	s6 =	smul.u32 $0x280, s3;
	s7 =	sadd.s32 s7, s5;
	s8 =	ssub.s32 s8, s9  }
0x9: {  	s3 =	sadd.s32 $0xEA00, s5;
	s31 =	sadd.s32 s10, s7;
	s7 =	smax.u32 s8, $0x1  }
0xa: {  	s10 =	simm.s32 $0x1;
	s6 =	sadd.s32 s6, s5;
	s8 =	sadd.s32 $0xAAE00, s31  }
0xb: {  	s9 =	sadd.s32 $0x58CE00, s31;
	s5 =	sadd.s32 $0x9A00, s6;
	s6 =	sadd.s32 $0x4A00, s6  }
.LBB2_1:
0xc: {  	[tilespmem:s2], [sflag:$0x1] =	stream.linear.gather [hbm4b:s5+s2], $0x1400, $0x38;
	[tilespmem:$0x12200] =	vst v63  }
0xd: {  	_ =	swait.ge [sflag:s10], $0x1400  }
0xe: {  	[sflag:s10] =	ssyncset.done $0x0  }
0xf: {  	[sflag:s10] =	ssyncadd.s32 $0xFFFFEC00  }
0x10: {  	[tilespmem:s11], [sflag:$0x1] =	stream.linear.gather [hbm4b:s6+s2], $0x1400, $0x38;
	[tilespmem:$0x12200] =	vst v63  }
0x11: {  	_ =	swait.ge [sflag:s10], $0x1400  }
0x12: {  	[sflag:s10] =	ssyncset.done $0x0  }
0x13: {  	s16 =	simm.s32 $0x0;
	[sflag:s10] =	ssyncadd.s32 $0xFFFFEC00  }
0x14: {  	[tilespmem:s13], [sflag:$0x1] =	stream.indirect.gather [hbm4b:s3+s12], $0x100, s16, s12, $0xb8;
	[tilespmem:$0x12200] =	vst v63  }
0x15: {  	_ =	swait.ge [sflag:s10], $0x7D00  }
0x16: {  	[sflag:s10] =	ssyncset.done $0x0  }
0x17: {  	[sflag:s10] =	ssyncadd.s32 $0xFFFF8300  }
0x18: {  	[hbm4b:s9+s2] =	stream.linear.scatter [tilespmem:s13], [sflag:$0x1], $0x7D00, $0x38;
	[tilespmem:$0x12200] =	vst v63  }
0x19: {  	_ =	swait.ge [sflag:s10], $0x7D00  }
0x1a: {  	[sflag:s10] =	ssyncset.done $0x0  }
0x1b: {  	s31 =	simm.s32 $0x1400;
	[sflag:s10] =	ssyncadd.s32 $0xFFFF8300  }
0x1c: {  	[tilespmem:s14], [sflag:$0x1] =	stream.indirect.gather [hbm4b:s4+s12], $0x100, s31, s12, $0xb8;
	[tilespmem:$0x12200] =	vst v63  }
0x1d: {  	_ =	swait.ge [sflag:s10], $0x7D00  }
0x1e: {  	[sflag:s10] =	ssyncset.done $0x0  }
0x1f: {  	[sflag:s10] =	ssyncadd.s32 $0xFFFF8300  }
0x20: {  	[hbm4b:s8+s2] =	stream.linear.scatter [tilespmem:s14], [sflag:$0x1], $0x7D00, $0x38;
	[tilespmem:$0x12200] =	vst v63  }
0x21: {  	s18 =	simm.s32 $0x200;
	s19 =	simm.s32 $0x400;
	_ =	swait.ge [sflag:s10], $0x7D00  }
0x22: {  	s17 =	sadd.s32 $0xFA0, s9;
	s16 =	sadd.s32 $0xFA0, s8;
	[sflag:s10] =	ssyncset.done $0x0  }
.LBB2_2:
0x23: {  	s20 =	sshra.s32 s18, $0x2  }
0x24: {  	[sflag:s10] =	ssyncadd.s32 $0xFFFF8300;
	s18 =	smov.u32 s19;
	s21 =	sadd.s32 $0x200, s19  }
0x25: {  	[tilespmem:s13], [sflag:$0x1] =	stream.indirect.gather [hbm4b:s3+s12], $0x100, s20, s12, $0xb8;
	[tilespmem:$0x12200] =	vst v63  }
0x26: {  	p0 =	sne.s32 s19, $0x4E00;
	_ =	swait.ge [sflag:s10], $0x7D00  }
0x27: {  	[sflag:s10] =	ssyncset.done $0x0  }
0x28: {  	[sflag:s10] =	ssyncadd.s32 $0xFFFF8300  }
0x29: {  	[hbm4b:s17+s2] =	stream.linear.scatter [tilespmem:s13], [sflag:$0x1], $0x7D00, $0x38;
	[tilespmem:$0x12200] =	vst v63  }
0x2a: {  	_ =	swait.ge [sflag:s10], $0x7D00  }
0x2b: {  	[sflag:s10] =	ssyncset.done $0x0  }
0x2c: {  	s19 =	sadd.s32 $0x1400, s20;
	[sflag:s10] =	ssyncadd.s32 $0xFFFF8300  }
0x2d: {  	[tilespmem:s14], [sflag:$0x1] =	stream.indirect.gather [hbm4b:s4+s12], $0x100, s19, s12, $0xb8;
	[tilespmem:$0x12200] =	vst v63  }
0x2e: {  	_ =	swait.ge [sflag:s10], $0x7D00  }
.Ltmp0:
0x2f: {  	[sflag:s10] =	ssyncset.done $0x0;
	(pc) =	sbr.rel @p0 .LBB2_2-.Ltmp0, $4  }
0x30: {  	[sflag:s10] =	ssyncadd.s32 $0xFFFF8300  }
0x31: {  	[hbm4b:s16+s2] =	stream.linear.scatter [tilespmem:s14], [sflag:$0x1], $0x7D00, $0x38;
	[tilespmem:$0x12200] =	vst v63  }
0x32: {  	s17 =	sadd.s32 $0xFA0, s17;
	_ =	swait.ge [sflag:s10], $0x7D00  }
0x33: {  	s19 =	smov.u32 s21;
	s16 =	sadd.s32 $0xFA0, s16;
	[sflag:s10] =	ssyncset.done $0x0  }
0x34: {  	s18 =	sshra.s32 s18, $0x2;
	[sflag:s10] =	ssyncadd.s32 $0xFFFF8300  }
0x35: {  	[tilespmem:s13], [sflag:$0x1] =	stream.indirect.gather [hbm4b:s3+s12], $0x100, s18, s12, $0xb8;
	[tilespmem:$0x12200] =	vst v63  }
0x36: {  	_ =	swait.ge [sflag:s10], $0x7D00  }
0x37: {  	[sflag:s10] =	ssyncset.done $0x0  }
0x38: {  	[sflag:s10] =	ssyncadd.s32 $0xFFFF8300  }
0x39: {  	[hbm4b:s17+s2] =	stream.linear.scatter [tilespmem:s13], [sflag:$0x1], $0x7D00, $0x38;
	[tilespmem:$0x12200] =	vst v63  }
0x3a: {  	_ =	swait.ge [sflag:s10], $0x7D00  }
0x3b: {  	[sflag:s10] =	ssyncset.done $0x0  }
0x3c: {  	s31 =	sadd.s32 $0x1400, s18;
	[sflag:s10] =	ssyncadd.s32 $0xFFFF8300  }
0x3d: {  	[tilespmem:s14], [sflag:$0x1] =	stream.indirect.gather [hbm4b:s4+s12], $0x100, s31, s12, $0xb8;
	[tilespmem:$0x12200] =	vst v63  }
0x3e: {  	s15 =	sadd.s32 $0x1, s15;
	_ =	swait.ge [sflag:s10], $0x7D00  }
0x3f: {  	p0 =	sne.s32 s15, s7;
	[sflag:s10] =	ssyncset.done $0x0  }
.Ltmp1:
0x40: {  	[sflag:s10] =	ssyncadd.s32 $0xFFFF8300;
	(pc) =	sbr.rel @p0 .LBB2_1-.Ltmp1, $4  }
0x41: {  	[hbm4b:s16+s2] =	stream.linear.scatter [tilespmem:s14], [sflag:$0x1], $0x7D00, $0x38;
	[tilespmem:$0x12200] =	vst v63  }
0x42: {  	_ =	swait.ge [sflag:s10], $0x7D00  }
0x43: {  	[sflag:s10] =	ssyncset.done $0x0  }
0x44: {  	[sflag:s10] =	ssyncadd.s32 $0xFFFF8300  }
0x45: {  	_ =	sfence.sel $0x180000  }
0x46: {  	[bflag:$0x0] =	sbarrier.arrive $0xFFFF  }
0x47: {  	p0 =	sne.s32 s1, $0x0;
	_ =	strace $0x9000004D  }
0x48: {  	s0 =	sadd.s32 @!p0 $0x100000, s0;
	[bflag:$0x2] =	sbarrier.arrive $0xFFFF  }
0x49: {  	[sflag:s0] =	ssyncadd.tile.s32 @!p0 $0x1;
	_ =	shalt  }
.Lfunc_end2:
_tile_overlayer_lowered:
.L_overlay_start_2:
0x4a: {  	(tag) =	ssettag $0x2  }
0x4b: {  	s0 =	rddreg [dreg:$0x0];
	s2 =	stileid.u32  }
0x4c: {  	s1 =	rddreg [dreg:$0x1];
	p0 =	sne.s32 s2, $0x0  }
0x4d: {  	s3 =	rddreg [dreg:$0x2];
	[bflag:$0x3] =	sbarrier.arrive $0xFFFF;
	s2 =	simm.s32 @!p0 $0x1C01  }
0x4e: {  	[timem:s3], [sflag:s2] =	dma.local @!p0 [hbm:s0], s1  }
0x4f: {  	s0 =	simm.s32 @!p0 $0x1  }
0x50: {  	_ =	swait.ge @!p0 [sflag:s0], s1  }
0x51: {  	s1 =	ssub.s32 @!p0 $0x0, s1;
	[sflag:s0] =	ssyncset.done @!p0 $0x0  }
0x52: {  	[sflag:s0] =	ssyncadd.s32 @!p0 s1  }
0x53: {  	[bflag:$0x3] =	sbarrier.arrive $0xFFFF  }
0x54: {  	_ =	shalt  }

// kernel: kernel.8.cloned.1.call-start
scs
__scs_entry_jumppad:
0x0: {  	(pc) =	sbr.rel $0x88, $3  }
0x1: {  	(tag) =	ssettag $0x0;
	lr =	simm.s32 $0x1  }
0x2: {  	[smem:$0x3F8E] =	sst lr;
	_ =	strace $0xD0000000  }
0x3: {  	_ = 	snop  }
0x4: {  	_ = 	snop  }
0x5: {  	_ = 	snop  }
0x6: {  	_ = 	snop  }
0x7: {  	_ = 	snop  }
__scs_overlays_trampoline_lowered:
0x8: {  	[smem:$0x3F9D] =	sst s0  }
0x9: {  	[smem:$0x3F9E] =	sst s1  }
0xa: {  	[smem:$0x3F9F] =	sst s2  }
0xb: {  	[smem:$0x3FA0] =	sst s3  }
0xc: {  	[smem:$0x3FA1] =	sst s4  }
0xd: {  	[smem:$0x3FA2] =	sst s5  }
0xe: {  	[smem:$0x3FA3] =	sst s6  }
0xf: {  	[smem:$0x3FA4] =	sst s7  }
0x10: {  	[smem:$0x3FA5] =	sst s8  }
0x11: {  	[smem:$0x3FA6] =	sst s9;
	s0 =	simm.s32 @!p0 $0x0  }
0x12: {  	s1 =	sld [smem:$0x3F8C];
	s0 =	simm.s32 @p0 $0x1  }
0x13: {  	[smem:$0x3FA7] =	sst s0;
	s0 =	simm.s32 @!p1 $0x0  }
0x14: {  	s2 =	sld [smem:$0x3F8B];
	s0 =	simm.s32 @p1 $0x1  }
0x15: {  	[smem:$0x3FA8] =	sst s0;
	s0 =	simm.s32 @!p2 $0x0  }
0x16: {  	s3 =	sld [smem:$0x3FDB];
	s0 =	simm.s32 @p2 $0x1  }
0x17: {  	s4 =	simm.s32 $0x1BF5;
	[smem:$0x3FAA] =	sst s0  }
0x18: {  	s0 =	sld [smem:$0x3F8D];
	_ =	swait.ge [sflag:s4], $0x0  }
0x19: {  	s7 =	sld [smem:$0x3F8E]  }
0x1a: {  	s8 =	sadd.s32 $0xFFFFE003, lr  }
0x1b: {  	s9 =	sadd.s32 $0xFFFFFEF7, lr;
	s5 =	simm.s32 $0xFFFFFFFF;
	p2 =	slt.u32 s8, $0xFFFFF086  }
0x1c: {  	p1 =	slt.u32 s9, $0xF7A;
	s5 =	simm.s32 @!p2 $0x0  }
0x1d: {  	s5 =	simm.s32 @p1 $0x1;
	p0 =	seq.s32 s7, s2  }
0x1e: {  	s7 =	smul.u32 @!p0 $0xF7A, s2;
	p2 =	seq.s32 @!p0 s5, $0x0  }
0x1f: {  	s9 =	smul.u32 $0xF7A, s1;
	s8 =	simm.s32 @!p0 $0x1BF5;
	p2 =	por !p2, p0  }
0x20: {  	[sflag:s8] =	ssyncset.s32 @!p0 $0xFFFFF086;
	s6 =	sadd.s32 @!p0 s3, s7;
	s7 =	simm.s32 @!p0 $0x108  }
0x21: {  	s3 =	sadd.s32 s3, s9;
	s6 =	sadd.s32 @!p0 $0x88, s6;
	s7 =	simm.s32 @p2 $0x1082  }
0x22: {  	[simem:s7], [sflag:s8] =	dma.local @!p0 [hbm:s6], $0xF7A  }
0x23: {  	s9 =	sor.u32 $0xD0000000, s2;
	s6 =	simm.s32 $0x108;
	_ =	swait.ge @!p0 [sflag:s8], $0x0  }
0x24: {  	s3 =	sadd.s32 $0x88, s3;
	s6 =	simm.s32 @!p1 $0x1082;
	[sflag:s4] =	ssyncset.s32 $0xFFFFF086  }
0x25: {  	[simem:s6], [sflag:s4] =	dma.local [hbm:s3], $0xF7A  }
0x26: {  	[smem:$0x3F8E] =	sst s1;
	(tag) =	ssettag s2;
	_ =	strace s9  }
0x27: {  	s1 =	sld [smem:$0x3F9E]  }
0x28: {  	s2 =	sld [smem:$0x3F9F]  }
0x29: {  	s4 =	sld [smem:$0x3FA1]  }
0x2a: {  	p0 =	seq.s32 s5, $0x0;
	s5 =	sld [smem:$0x3FA2]  }
0x2b: {  	s6 =	sld [smem:$0x3FA3]  }
0x2c: {  	s7 =	sld [smem:$0x3FA4]  }
0x2d: {  	s3 =	simm.s32 $0x108;
	s8 =	sld [smem:$0x3FA5]  }
0x2e: {  	s3 =	simm.s32 @!p0 $0x1082;
	s9 =	sld [smem:$0x3FA6]  }
0x2f: {  	lr =	sadd.s32 s0, s3;
	s0 =	sld [smem:$0x3F9D]  }
0x30: {  	s3 =	sld [smem:$0x3FA0]  }
0x31: {  	[smem:$0x3FA9] =	sst s10  }
0x32: {  	s10 =	sld [smem:$0x3FA7];
	_ =	sdelay $0x3  }
0x33: {  	p0 =	seq.s32 s10, $0x1;
	s10 =	sld [smem:$0x3FA9];
	_ =	sdelay $0x3  }
0x34: {  	[smem:$0x3FA9] =	sst s10  }
0x35: {  	s10 =	sld [smem:$0x3FA8];
	_ =	sdelay $0x3  }
0x36: {  	p1 =	seq.s32 s10, $0x1;
	s10 =	sld [smem:$0x3FA9];
	_ =	sdelay $0x3  }
0x37: {  	[smem:$0x3FA9] =	sst s10  }
0x38: {  	s10 =	sld [smem:$0x3FAA]  }
0x39: {  	_ = 	snop;
	(pc) =	sbr.ind lr, $3  }
0x3a: {  	_ = 	snop  }
0x3b: {  	_ = 	snop  }
0x3c: {  	p2 =	seq.s32 s10, $0x1;
	s10 =	sld [smem:$0x3FA9]  }
0x3d: {  	_ =	shalt  }
0x3e: {  	_ =	shalt  }
0x3f: {  	_ =	shalt  }
0x40: {  	_ =	shalt  }
0x41: {  	_ =	shalt  }
0x42: {  	_ =	shalt  }
0x43: {  	_ =	shalt  }
0x44: {  	_ =	shalt  }
0x45: {  	_ =	shalt  }
0x46: {  	_ =	shalt  }
0x47: {  	_ =	shalt  }
0x48: {  	_ =	shalt  }
0x49: {  	_ =	shalt  }
0x4a: {  	_ =	shalt  }
0x4b: {  	_ =	shalt  }
0x4c: {  	_ =	shalt  }
0x4d: {  	_ =	shalt  }
0x4e: {  	_ =	shalt  }
0x4f: {  	_ =	shalt  }
0x50: {  	_ =	shalt  }
0x51: {  	_ =	shalt  }
0x52: {  	_ =	shalt  }
0x53: {  	_ =	shalt  }
0x54: {  	_ =	shalt  }
0x55: {  	_ =	shalt  }
0x56: {  	_ =	shalt  }
0x57: {  	_ =	shalt  }
0x58: {  	_ =	shalt  }
0x59: {  	_ =	shalt  }
0x5a: {  	_ =	shalt  }
0x5b: {  	_ =	shalt  }
0x5c: {  	_ =	shalt  }
0x5d: {  	_ =	shalt  }
0x5e: {  	_ =	shalt  }
0x5f: {  	_ =	shalt  }
0x60: {  	_ =	shalt  }
0x61: {  	_ =	shalt  }
0x62: {  	_ =	shalt  }
0x63: {  	_ =	shalt  }
0x64: {  	_ =	shalt  }
0x65: {  	_ =	shalt  }
0x66: {  	_ =	shalt  }
0x67: {  	_ =	shalt  }
0x68: {  	_ =	shalt  }
0x69: {  	_ =	shalt  }
0x6a: {  	_ =	shalt  }
0x6b: {  	_ =	shalt  }
0x6c: {  	_ =	shalt  }
0x6d: {  	_ =	shalt  }
0x6e: {  	_ =	shalt  }
0x6f: {  	_ =	shalt  }
0x70: {  	_ =	shalt  }
0x71: {  	_ =	shalt  }
0x72: {  	_ =	shalt  }
0x73: {  	_ =	shalt  }
0x74: {  	_ =	shalt  }
0x75: {  	_ =	shalt  }
0x76: {  	_ =	shalt  }
0x77: {  	_ =	shalt  }
0x78: {  	_ =	shalt  }
0x79: {  	_ =	shalt  }
0x7a: {  	_ =	shalt  }
0x7b: {  	_ =	shalt  }
0x7c: {  	_ =	shalt  }
0x7d: {  	_ =	shalt  }
0x7e: {  	_ =	shalt  }
0x7f: {  	_ =	shalt  }
0x80: {  	_ =	shalt  }
0x81: {  	_ =	shalt  }
0x82: {  	_ =	shalt  }
0x83: {  	_ =	shalt  }
0x84: {  	_ =	shalt  }
0x85: {  	_ =	shalt  }
0x86: {  	_ =	shalt  }
0x87: {  	_ =	shalt  }
.Lfunc_end0:
.L_simem_size_0:
called_computation_lowered:
.L_overlay_start_0:
0x88: {  	s2 =	sld [smem:$0x3FD9]  }
0x89: {  	s3 =	sld [smem:$0x3FFE];
	_ =	sdelay $0x1  }
0x8a: {  	s1 =	srdreg.scid  }
0x8b: {  	s0 =	sand.u32 $0x1, s1  }
0x8c: {  	s17 =	sshll.u32 s0, $0xA;
	s2 =	sadd.s32 s3, s2  }
0x8d: {  	s2 =	sadd.s32 s2, s17  }
0x8e: {  	[smem:$0x3FB5] =	sst s2  }
0x8f: {  	_ = 	snop  }
0x90: {  	s2 =	sld [smem:$0x3FC9]  }
0x91: {  	s18 =	sld [smem:$0x3FD0];
	(tm) =	ssettm $0x1  }
0x92: {  	s4 =	sld [smem:$0x3FFB];
	_ =	sdelay $0x3  }
0x93: {  	_ =	strace s4  }
0x94: {  	s4 =	sld [smem:$0x3FFC];
	_ =	sdelay $0x3  }
0x95: {  	_ =	strace s4  }
0x96: {  	s4 =	sld [smem:$0x3FFD];
	_ =	sdelay $0x3  }
0x97: {  	_ =	strace s4  }
0x98: {  	_ =	strace $0x8FFFFFFF  }
0x99: {  	s19 =	sld [smem:$0x3FDB];
	_ =	sdelay $0x1  }
0x9a: {  	s5 =	simm.s32 $_scs_section_size  }
0x9b: {  	s6 =	simm.s32 $_size__tile_overlayer_lowered;
	s7 =	simm.s32 $_tile_overlayer_lowered  }
0x9c: {  	s22 =	simm.s32 $0x1BFF;
	s21 =	sshll.u32 s7, $0x1;
	s4 =	sadd.s32 s5, s19  }
0x9d: {  	s8 =	simm.s32 $0x0;
	s20 =	sshll.u32 s6, $0x1;
	s6 =	sadd.s32 s21, s4  }
0x9e: {  	[timem:s8], [sflag:s22] =	dma.local [hbm:s6], s20  }
0x9f: {  	_ =	swait.ge [sflag:s22], s20  }
0xa0: {  	s5 =	ssub.s32 $0x0, s20;
	[sflag:s22] =	ssyncset.done $0x0  }
0xa1: {  	[sflag:s22] =	ssyncadd.s32 s5;
	_ =	sdelay $0x1  }
0xa2: {  	s23 =	simm.s32 $0x1B8B  }
0xa3: {  	_ =	swait.ge [sflag:s23], $0x1  }
0xa4: {  	[sflag:s23] =	ssyncset.done $0x0  }
0xa5: {  	s25 =	simm.s32 $0x1B8E;
	s24 =	sld [smem:$0x3FFE];
	[sflag:s23] =	ssyncadd.s32 $0xFFFFFFFF  }
0xa6: {  	s26 =	simm.s32 $execute0_lowered;
	[smem:$0x3FD2] =	sst s25  }
0xa7: {  	s6 =	sshll.u32 s26, $0x1;
	_ =	strace $0x80000046;
	[dreg:$0x1] =	wrdreg $0xFFFFFFFF  }
0xa8: {  	s28 =	simm.s32 $_size_execute0_lowered;
	s4 =	sadd.s32 s4, s6;
	[dreg:$0x0] =	wrdreg $0x0  }
0xa9: {  	s6 =	sshll.u32 s28, $0x1;
	[dreg:$0x2] =	wrdreg s4  }
0xaa: {  	[dreg:$0x3] =	wrdreg s6  }
0xab: {  	[dreg:$0x4] =	wrdreg $0xC0  }
0xac: {  	_ =	task [dreg:s8], $0x5FFFF  }
0xad: {  	[dreg:$0x1] =	wrdreg $0xFFFFFFFF  }
0xae: {  	[dreg:$0x0] =	wrdreg $0x60  }
0xaf: {  	[dreg:$0x2] =	wrdreg s2  }
0xb0: {  	[dreg:$0x3] =	wrdreg s24  }
0xb1: {  	[dreg:$0x4] =	wrdreg s18  }
0xb2: {  	[dreg:$0x5] =	wrdreg $0xA6800  }
0xb3: {  	[dreg:$0x6] =	wrdreg $0x1E9800  }
0xb4: {  	[dreg:$0x7] =	wrdreg $0x9  }
0xb5: {  	_ =	task.clear_ibuf [dreg:s8], $0x8FFFF;
	_ =	strace $0x90000046  }
0xb6: {  	s29 =	simm.s32 $0x9;
	_ =	strace $0x80000048  }
0xb7: {  	_ =	swait.ge [sflag:s29], $0x1  }
0xb8: {  	[sflag:s29] =	ssyncadd.s32 $0xFFFFFFFF  }
0xb9: {  	_ =	strace $0x90000048  }
0xba: {  	_ =	sfence  }
0xbb: {  	s30 =	sld [smem:$0x0];
	_ =	sdelay $0x2  }
0xbc: {  	s31 =	sshll.u32 s1, $0xD;
	s1 =	sshrl.u32 s1, $0x2  }
0xbd: {  	s3 =	sand.u32 $0x4000, s31;
	s1 =	sadd.s32 s1, s30  }
0xbe: {  	s0 =	sor.u32 s3, s0;
	s1 =	sshll.u32 s1, $0x11  }
0xbf: {  	s0 =	sor.u32 s1, s0  }
0xc0: {  	s0 =	sadd.s32 $0x8F2B, s0  }
0xc1: {  	[sflag:s0] =	ssyncadd.remote.s32 $0x1  }
0xc2: {  	_ =	sfence.sel $0xFFFF  }
0xc3: {  	[dreg:$0x0] =	wrdreg $0xFFFFFFFF;
	(pc) =	sbr.abs _section_cstart, $3  }
0xc4: {  	[dreg:$0x1] =	wrdreg $0xFFFFFFFF  }
0xc5: {  	_ =	task.clear_ibuf [dreg:s8], $0x2FFFF;
	_ =	strace $0x9FFFFFFF  }
0xc6: {  	(tm) =	ssettm $0x7FFFFFFF  }
0xc7: {  	_ =	shalt  }
tec
execute0_lowered:
.L_overlay_start_1:
0x0: {  	(tag) =	ssettag $0x1  }
0x1: {  	s0 =	rddreg [dreg:$0x0]  }
0x2: {  	s1 =	rddreg [dreg:$0x1]  }
0x3: {  	s2 =	rddreg [dreg:$0x2];
	s4 =	srdreg.scid  }
0x4: {  	s3 =	rddreg [dreg:$0x3];
	s7 =	stileid.u32  }
0x5: {  	s5 =	simm.s32 $0x0;
	s28 =	simm.s32 $0x1E680;
	s29 =	simm.s32 $0x1E700  }
0x6: {  	s30 =	simm.s32 $0x7D;
	s15 =	sand.u32 $0x1, s4;
	s4 =	rddreg [dreg:$0x4]  }
0x7: {  	s31 =	simm.s32 $0x2800;
	[smem:$0x7FF] =	sst s5;
	s25 =	sadd.s32 $0xEA00, s1  }
0x8: {  	s26 =	sadd.s32 $0xF200, s1;
	s16 =	smul.u32 $0x14000, s7;
	s8 =	sadd.s32 $0xF400, s1  }
0x9: {  	s18 =	smul.u32 $0x280, s7;
	_ =	strace $0x80000047;
	[dreg:$0x6] =	wrdreg s25  }
0xa: {  	s6 =	sshll.u32 s15, $0x4;
	s9 =	ssub.s32 $0x2, s15;
	[dreg:$0x7] =	wrdreg s26  }
0xb: {  	s21 =	smul.u32 $0x140000, s15;
	s6 =	sor.u32 s7, s6;
	s11 =	sshrl.u32 s9, $0x1  }
0xc: {  	s17 =	sadd.s32 $0x4000, s16;
	s19 =	sadd.s32 $0x8000, s16;
	s20 =	sadd.s32 $0xC000, s16  }
0xd: {  	s22 =	sadd.s32 $0x10000, s16;
	s6 =	smul.u32 $0x280, s6;
	s23 =	ssub.s32 s9, s11  }
0xe: {  	s11 =	sadd.s32 s16, s3;
	s12 =	sadd.s32 s17, s3;
	s13 =	sadd.s32 s19, s3  }
0xf: {  	s14 =	sadd.s32 s20, s3;
	s24 =	sadd.s32 s16, s21;
	s17 =	sadd.s32 s21, s17  }
0x10: {  	s19 =	sadd.s32 s21, s19;
	s20 =	sadd.s32 s21, s20;
	s21 =	sadd.s32 s21, s22  }
0x11: {  	s16 =	sadd.s32 s18, s4;
	s25 =	sshrl.u32 s24, $0x3;
	s26 =	sshrl.u32 s17, $0x3  }
0x12: {  	s19 =	sshrl.u32 s19, $0x3;
	s20 =	sshrl.u32 s20, $0x3;
	s21 =	sshrl.u32 s21, $0x3  }
0x13: {  	s23 =	smax.u32 s23, $0x1;
	s24 =	simm.s32 $0x1;
	s10 =	sadd.s32 s6, s1  }
0x14: {  	s1 =	sadd.s32 $0xF600, s1;
	s6 =	smul.u32 $0x2800, s15;
	s15 =	sadd.s32 s22, s3  }
0x15: {  	s9 =	sadd.s32 $0x9A00, s10;
	s10 =	sadd.s32 $0x4A00, s10;
	s17 =	sadd.s32 s1, s25  }
0x16: {  	s19 =	sadd.s32 s1, s19;
	s20 =	sadd.s32 s1, s20;
	s7 =	sadd.s32 s18, s6  }
0x17: {  	s21 =	sadd.s32 s1, s21;
	s18 =	sadd.s32 s1, s26;
	s22 =	sshrl.u32 s7, $0x3  }
0x18: {  	s26 =	simm.s32 $0x6680;
	s1 =	simm.s32 $0x0;
	s22 =	sadd.s32 s2, s22  }
.LBB2_1:
0x19: {  	[tilespmem:s5], [sflag:$0x1] =	stream.linear.gather [hbm4b:s9+s5], $0x1400, $0x38;
	[tilespmem:$0x1EC00] =	vst v63  }
0x1a: {  	_ =	swait.ge [sflag:s24], $0x1400  }
0x1b: {  	[sflag:s24] =	ssyncset.done $0x0  }
0x1c: {  	s2 =	simm.s32 $0x1400;
	[sflag:s24] =	ssyncadd.s32 $0xFFFFEC00  }
0x1d: {  	[tilespmem:s2], [sflag:$0x1] =	stream.linear.gather [hbm4b:s10+s5], $0x1400, $0x38;
	[tilespmem:$0x1EC00] =	vst v63  }
0x1e: {  	_ =	swait.ge [sflag:s24], $0x1400  }
0x1f: {  	[sflag:s24] =	ssyncset.done $0x0  }
0x20: {  	s25 =	rddreg [dreg:$0x6];
	[sflag:s24] =	ssyncadd.s32 $0xFFFFEC00  }
0x21: {  	[tilespmem:s26], [sflag:$0x1] =	stream.linear.gather [hbm4b:s25+s5], $0x4000, $0x38;
	[tilespmem:$0x1EC00] =	vst v63  }
0x22: {  	_ =	swait.ge [sflag:s24], $0x4000  }
0x23: {  	[sflag:s24] =	ssyncset.done $0x0  }
0x24: {  	[sflag:s24] =	ssyncadd.s32 $0xFFFFC000  }
0x25: {  	[spmem:s11] =	stream.linear.scatter [tilespmem:s26], [sflag:$0x1], $0x4000, $0x38;
	[tilespmem:$0x1EC00] =	vst v63  }
0x26: {  	_ =	swait.ge [sflag:s24], $0x4000  }
0x27: {  	[sflag:s24] =	ssyncset.done $0x0  }
0x28: {  	[sflag:s24] =	ssyncadd.s32 $0xFFFFC000  }
0x29: {  	[spmem:s12] =	stream.linear.scatter [tilespmem:s26], [sflag:$0x1], $0x4000, $0x38;
	[tilespmem:$0x1EC00] =	vst v63  }
0x2a: {  	_ =	swait.ge [sflag:s24], $0x4000  }
0x2b: {  	[sflag:s24] =	ssyncset.done $0x0  }
0x2c: {  	[sflag:s24] =	ssyncadd.s32 $0xFFFFC000  }
0x2d: {  	[spmem:s13] =	stream.linear.scatter [tilespmem:s26], [sflag:$0x1], $0x4000, $0x38;
	[tilespmem:$0x1EC00] =	vst v63  }
0x2e: {  	_ =	swait.ge [sflag:s24], $0x4000  }
0x2f: {  	[sflag:s24] =	ssyncset.done $0x0  }
0x30: {  	[sflag:s24] =	ssyncadd.s32 $0xFFFFC000  }
0x31: {  	[spmem:s14] =	stream.linear.scatter [tilespmem:s26], [sflag:$0x1], $0x4000, $0x38;
	[tilespmem:$0x1EC00] =	vst v63  }
0x32: {  	_ =	swait.ge [sflag:s24], $0x4000  }
0x33: {  	[sflag:s24] =	ssyncset.done $0x0  }
0x34: {  	[sflag:s24] =	ssyncadd.s32 $0xFFFFC000  }
0x35: {  	[spmem:s15] =	stream.linear.scatter [tilespmem:s26], [sflag:$0x1], $0x4000, $0x38;
	[tilespmem:$0x1EC00] =	vst v63  }
0x36: {  	_ =	swait.ge [sflag:s24], $0x4000  }
0x37: {  	[sflag:s24] =	ssyncset.done $0x0  }
0x38: {  	[sflag:s24] =	ssyncadd.s32 $0xFFFFC000  }
0x39: {  	[tilespmem:s28], [sflag:$0x1] =	stream.linear.gather [hbm4b:s8+s5], $0x80, $0x38;
	[tilespmem:$0x1EC00] =	vst v63  }
0x3a: {  	_ =	swait.ge [sflag:s24], $0x80  }
0x3b: {  	[sflag:s24] =	ssyncset.done $0x0  }
0x3c: {  	s6 =	rddreg [dreg:$0x7];
	[sflag:s24] =	ssyncadd.s32 $0xFFFFFF80  }
0x3d: {  	[tilespmem:s29], [sflag:$0x1] =	stream.linear.gather [hbm4b:s6+s5], $0x280, $0x38;
	[tilespmem:$0x1EC00] =	vst v63  }
0x3e: {  	_ =	swait.ge [sflag:s24], $0x280  }
0x3f: {  	[sflag:s24] =	ssyncset.done $0x0  }
0x40: {  	[sflag:s24] =	ssyncadd.s32 $0xFFFFFD80  }
0x41: {  	[spmem:s16] =	stream.linear.scatter [tilespmem:s29], [sflag:$0x1], $0x280, $0x38;
	[tilespmem:$0x1EC00] =	vst v63  }
0x42: {  	_ =	swait.ge [sflag:s24], $0x280  }
0x43: {  	[sflag:s24] =	ssyncset.done $0x0  }
0x44: {  	[sflag:s24] =	ssyncadd.s32 $0xFFFFFD80  }
0x45: {  	s7 =	simm.s32 $0x0;
	[bflag:$0x0] =	sbarrier.arrive $0xFFFF  }
0x46: {  	[tilespmem:s31], [sflag:$0x1] =	stream.indirect.gather [hbm4b:s0+s30], $0x80, s7, s30, $0xb8;
	[tilespmem:$0x1EC00] =	vst v63  }
0x47: {  	_ =	swait.ge [sflag:s24], $0x3E80  }
0x48: {  	[sflag:s24] =	ssyncset.done $0x0  }
0x49: {  	s25 =	simm.s32 $0x1400;
	[sflag:s24] =	ssyncadd.s32 $0xFFFFC180  }
0x4a: {  	[spmem:s3] =	stream.indirect.scatter.add.f32 [tilespmem:s31], [sflag:$0x1], $0x80, s25, s30, $0xb8;
	[tilespmem:$0x1EC00] =	vst v63  }
0x4b: {  	_ =	swait.ge [sflag:s24], $0x3E80  }
0x4c: {  	[sflag:s24] =	ssyncset.done $0x0  }
0x4d: {  	[sflag:s24] =	ssyncadd.s32 $0xFFFFC180  }
0x4e: {  	[spmem:s4] =	stream.indirect.scatter.add.f32 [tilespmem:s28], [sflag:$0x1], $0x1, s25, s30, $0xb8;
	[tilespmem:$0x1EC00] =	vst v63  }
0x4f: {  	_ =	swait.ge [sflag:s24], $0x7D  }
0x50: {  	s2 =	simm.s32 $0x200;
	s25 =	simm.s32 $0x400;
	[sflag:s24] =	ssyncset.done $0x0  }
.LBB2_2:
0x51: {  	s6 =	sshra.s32 s2, $0x2  }
0x52: {  	[sflag:s24] =	ssyncadd.s32 $0xFFFFFF83;
	s2 =	smov.u32 s25;
	s7 =	sadd.s32 $0x200, s25  }
0x53: {  	[tilespmem:s31], [sflag:$0x1] =	stream.indirect.gather [hbm4b:s0+s30], $0x80, s6, s30, $0xb8;
	[tilespmem:$0x1EC00] =	vst v63  }
0x54: {  	p0 =	sne.s32 s25, $0x4E00;
	_ =	swait.ge [sflag:s24], $0x3E80  }
0x55: {  	[sflag:s24] =	ssyncset.done $0x0  }
0x56: {  	s6 =	sadd.s32 $0x1400, s6;
	[sflag:s24] =	ssyncadd.s32 $0xFFFFC180  }
0x57: {  	[spmem:s3] =	stream.indirect.scatter.add.f32 [tilespmem:s31], [sflag:$0x1], $0x80, s6, s30, $0xb8;
	[tilespmem:$0x1EC00] =	vst v63  }
0x58: {  	_ =	swait.ge [sflag:s24], $0x3E80  }
.Ltmp0:
0x59: {  	[sflag:s24] =	ssyncset.done $0x0;
	(pc) =	sbr.rel @p0 .LBB2_2-.Ltmp0, $4  }
0x5a: {  	[sflag:s24] =	ssyncadd.s32 $0xFFFFC180  }
0x5b: {  	[spmem:s4] =	stream.indirect.scatter.add.f32 [tilespmem:s28], [sflag:$0x1], $0x1, s6, s30, $0xb8;
	[tilespmem:$0x1EC00] =	vst v63  }
0x5c: {  	_ =	swait.ge [sflag:s24], $0x7D  }
0x5d: {  	s25 =	smov.u32 s7;
	[sflag:s24] =	ssyncset.done $0x0  }
0x5e: {  	s2 =	sshra.s32 s2, $0x2;
	[sflag:s24] =	ssyncadd.s32 $0xFFFFFF83  }
0x5f: {  	[tilespmem:s31], [sflag:$0x1] =	stream.indirect.gather [hbm4b:s0+s30], $0x80, s2, s30, $0xb8;
	[tilespmem:$0x1EC00] =	vst v63  }
0x60: {  	_ =	swait.ge [sflag:s24], $0x3E80  }
0x61: {  	[sflag:s24] =	ssyncset.done $0x0  }
0x62: {  	s2 =	sadd.s32 $0x1400, s2;
	[sflag:s24] =	ssyncadd.s32 $0xFFFFC180  }
0x63: {  	[spmem:s3] =	stream.indirect.scatter.add.f32 [tilespmem:s31], [sflag:$0x1], $0x80, s2, s30, $0xb8;
	[tilespmem:$0x1EC00] =	vst v63  }
0x64: {  	_ =	swait.ge [sflag:s24], $0x3E80  }
0x65: {  	[sflag:s24] =	ssyncset.done $0x0  }
0x66: {  	[sflag:s24] =	ssyncadd.s32 $0xFFFFC180  }
0x67: {  	[spmem:s4] =	stream.indirect.scatter.add.f32 [tilespmem:s28], [sflag:$0x1], $0x1, s2, s30, $0xb8;
	[tilespmem:$0x1EC00] =	vst v63  }
0x68: {  	_ =	swait.ge [sflag:s24], $0x7D  }
0x69: {  	[sflag:s24] =	ssyncset.done $0x0  }
0x6a: {  	[sflag:s24] =	ssyncadd.s32 $0xFFFFFF83  }
0x6b: {  	[bflag:$0x0] =	sbarrier.arrive $0xFFFF  }
0x6c: {  	[tilespmem:s26], [sflag:$0x1] =	stream.linear.gather [spmem:s11], $0x4000, $0x38;
	[tilespmem:$0x1EC00] =	vst v63  }
0x6d: {  	_ =	swait.ge [sflag:s24], $0x4000  }
0x6e: {  	[sflag:s24] =	ssyncset.done $0x0  }
0x6f: {  	[sflag:s24] =	ssyncadd.s32 $0xFFFFC000  }
0x70: {  	[hbm4b:s17+s5] =	stream.linear.scatter [tilespmem:s26], [sflag:$0x1], $0x4000, $0x38;
	[tilespmem:$0x1EC00] =	vst v63  }
0x71: {  	_ =	swait.ge [sflag:s24], $0x4000  }
0x72: {  	[sflag:s24] =	ssyncset.done $0x0  }
0x73: {  	[sflag:s24] =	ssyncadd.s32 $0xFFFFC000  }
0x74: {  	[tilespmem:s26], [sflag:$0x1] =	stream.linear.gather [spmem:s12], $0x4000, $0x38;
	[tilespmem:$0x1EC00] =	vst v63  }
0x75: {  	_ =	swait.ge [sflag:s24], $0x4000  }
0x76: {  	[sflag:s24] =	ssyncset.done $0x0  }
0x77: {  	[sflag:s24] =	ssyncadd.s32 $0xFFFFC000  }
0x78: {  	[hbm4b:s18+s5] =	stream.linear.scatter [tilespmem:s26], [sflag:$0x1], $0x4000, $0x38;
	[tilespmem:$0x1EC00] =	vst v63  }
0x79: {  	_ =	swait.ge [sflag:s24], $0x4000  }
0x7a: {  	[sflag:s24] =	ssyncset.done $0x0  }
0x7b: {  	[sflag:s24] =	ssyncadd.s32 $0xFFFFC000  }
0x7c: {  	[tilespmem:s26], [sflag:$0x1] =	stream.linear.gather [spmem:s13], $0x4000, $0x38;
	[tilespmem:$0x1EC00] =	vst v63  }
0x7d: {  	_ =	swait.ge [sflag:s24], $0x4000  }
0x7e: {  	[sflag:s24] =	ssyncset.done $0x0  }
0x7f: {  	[sflag:s24] =	ssyncadd.s32 $0xFFFFC000  }
0x80: {  	[hbm4b:s19+s5] =	stream.linear.scatter [tilespmem:s26], [sflag:$0x1], $0x4000, $0x38;
	[tilespmem:$0x1EC00] =	vst v63  }
0x81: {  	_ =	swait.ge [sflag:s24], $0x4000  }
0x82: {  	[sflag:s24] =	ssyncset.done $0x0  }
0x83: {  	[sflag:s24] =	ssyncadd.s32 $0xFFFFC000  }
0x84: {  	[tilespmem:s26], [sflag:$0x1] =	stream.linear.gather [spmem:s14], $0x4000, $0x38;
	[tilespmem:$0x1EC00] =	vst v63  }
0x85: {  	_ =	swait.ge [sflag:s24], $0x4000  }
0x86: {  	[sflag:s24] =	ssyncset.done $0x0  }
0x87: {  	[sflag:s24] =	ssyncadd.s32 $0xFFFFC000  }
0x88: {  	[hbm4b:s20+s5] =	stream.linear.scatter [tilespmem:s26], [sflag:$0x1], $0x4000, $0x38;
	[tilespmem:$0x1EC00] =	vst v63  }
0x89: {  	_ =	swait.ge [sflag:s24], $0x4000  }
0x8a: {  	[sflag:s24] =	ssyncset.done $0x0  }
0x8b: {  	[sflag:s24] =	ssyncadd.s32 $0xFFFFC000  }
0x8c: {  	[tilespmem:s26], [sflag:$0x1] =	stream.linear.gather [spmem:s15], $0x4000, $0x38;
	[tilespmem:$0x1EC00] =	vst v63  }
0x8d: {  	_ =	swait.ge [sflag:s24], $0x4000  }
0x8e: {  	[sflag:s24] =	ssyncset.done $0x0  }
0x8f: {  	[sflag:s24] =	ssyncadd.s32 $0xFFFFC000  }
0x90: {  	[hbm4b:s21+s5] =	stream.linear.scatter [tilespmem:s26], [sflag:$0x1], $0x4000, $0x38;
	[tilespmem:$0x1EC00] =	vst v63  }
0x91: {  	_ =	swait.ge [sflag:s24], $0x4000  }
0x92: {  	[sflag:s24] =	ssyncset.done $0x0  }
0x93: {  	[sflag:s24] =	ssyncadd.s32 $0xFFFFC000  }
0x94: {  	[tilespmem:s29], [sflag:$0x1] =	stream.linear.gather [spmem:s16], $0x280, $0x38;
	[tilespmem:$0x1EC00] =	vst v63  }
0x95: {  	s1 =	sadd.s32 $0x1, s1;
	_ =	swait.ge [sflag:s24], $0x280  }
0x96: {  	p0 =	sne.s32 s1, s23;
	[sflag:s24] =	ssyncset.done $0x0  }
.Ltmp1:
0x97: {  	[sflag:s24] =	ssyncadd.s32 $0xFFFFFD80;
	(pc) =	sbr.rel @p0 .LBB2_1-.Ltmp1, $4  }
0x98: {  	[hbm4b:s22+s5] =	stream.linear.scatter [tilespmem:s29], [sflag:$0x1], $0x280, $0x38;
	[tilespmem:$0x1EC00] =	vst v63  }
0x99: {  	_ =	swait.ge [sflag:s24], $0x280  }
0x9a: {  	[sflag:s24] =	ssyncset.done $0x0  }
0x9b: {  	[sflag:s24] =	ssyncadd.s32 $0xFFFFFD80  }
0x9c: {  	_ =	sfence.sel $0x180000  }
0x9d: {  	[bflag:$0x0] =	sbarrier.arrive $0xFFFF  }
0x9e: {  	_ =	strace $0x90000047  }
0x9f: {  	s0 =	stileid.u32;
	[bflag:$0x2] =	sbarrier.arrive $0xFFFF  }
0xa0: {  	p0 =	sne.s32 s0, $0x0;
	s0 =	rddreg [dreg:$0x5]  }
0xa1: {  	s0 =	sadd.s32 @!p0 $0x100000, s0  }
0xa2: {  	[sflag:s0] =	ssyncadd.tile.s32 @!p0 $0x1;
	_ =	shalt  }
.Lfunc_end2:
_tile_overlayer_lowered:
.L_overlay_start_2:
0xa3: {  	(tag) =	ssettag $0x2  }
0xa4: {  	s0 =	rddreg [dreg:$0x0];
	s2 =	stileid.u32  }
0xa5: {  	s1 =	rddreg [dreg:$0x1];
	p0 =	sne.s32 s2, $0x0  }
0xa6: {  	s3 =	rddreg [dreg:$0x2];
	[bflag:$0x3] =	sbarrier.arrive $0xFFFF;
	s2 =	simm.s32 @!p0 $0x1C01  }
0xa7: {  	[timem:s3], [sflag:s2] =	dma.local @!p0 [hbm:s0], s1  }
0xa8: {  	s0 =	simm.s32 @!p0 $0x1  }
0xa9: {  	_ =	swait.ge @!p0 [sflag:s0], s1  }
0xaa: {  	s1 =	ssub.s32 @!p0 $0x0, s1;
	[sflag:s0] =	ssyncset.done @!p0 $0x0  }
0xab: {  	[sflag:s0] =	ssyncadd.s32 @!p0 s1  }
0xac: {  	[bflag:$0x3] =	sbarrier.arrive $0xFFFF  }
0xad: {  	_ =	shalt  }

</sc_bundles>
